<compile_context>
chip_gen: v7x
topology: tpu7x:2x2x1
jax: 0.10.2.dev20260603
libtpu: 0.0.44.dev20260713+nightly
codegen_flags: <defaults>
</compile_context>

<pallas_src>
import jax
import jax.numpy as jnp
from jax import lax
from jax.experimental import pallas as pl
from jax.experimental.pallas import tpu as pltpu
from jax.experimental.pallas import tpu_sc as plsc

N = 10000
E = 320000
D = 128

NC = 2
NS = 16
NW = NC * NS

C = 120
K = 84
E_PAD = NW * K * C
ROWS_PER_SUB = 632
NPAD = NS * ROWS_PER_SUB

import functools


def _mesh():
  return plsc.VectorSubcoreMesh(core_axis_name="c", subcore_axis_name="s")


def _seg_sum_body(h_hbm, src_hbm, dst_hbm, z_hbm, agg_out,
                  src_v, dst_v, msg_a, msg_b, agg_sh, sem_a, sem_b):
  c = lax.axis_index("c")
  s = lax.axis_index("s")
  wid = c * NS + s
  r0 = pl.multiple_of(s * ROWS_PER_SUB, 8)

  pltpu.sync_copy(src_hbm.at[wid], src_v)
  pltpu.sync_copy(dst_hbm.at[wid], dst_v)
  pltpu.sync_copy(z_hbm.at[pl.ds(r0, ROWS_PER_SUB)],
                  agg_sh.at[pl.ds(r0, ROWS_PER_SUB)])

  plsc.subcore_barrier()

  def gather(j, buf, sem):
    pltpu.async_copy(h_hbm.at[src_v.at[j]], buf, sem)

  def wait_gather(j, buf, sem):
    pltpu.make_async_copy(h_hbm.at[src_v.at[j]], buf, sem).wait()

  def chunk(j, _):
    gather(j, msg_a, sem_a)
    wait_gather(j, msg_a, sem_a)
    pltpu.sync_copy(msg_a, agg_sh.at[dst_v.at[j]], add=True)
    return 0

  lax.fori_loop(0, K, chunk, 0)

  plsc.subcore_barrier()

  pltpu.sync_copy(agg_sh.at[pl.ds(r0, ROWS_PER_SUB)],
                  agg_out.at[c, pl.ds(r0, ROWS_PER_SUB)])


@functools.cache
def _seg_sum():
  return pl.kernel(
      _seg_sum_body,
      out_type=jax.ShapeDtypeStruct((NC, NPAD, D), jnp.float32),
      mesh=_mesh(),
      scratch_types=[
          pltpu.VMEM((K, C), jnp.int32),
          pltpu.VMEM((K, C), jnp.int32),
          pltpu.VMEM((C, D), jnp.float32),
          pltpu.VMEM((C, D), jnp.float32),
          pltpu.VMEM_SHARED((NPAD, D), jnp.float32),
          pltpu.SemaphoreType.DMA,
          pltpu.SemaphoreType.DMA,
      ],
      name="sage_seg_sum")


def _deg_body(dst_hbm, z_hbm, ones_hbm, deg_out, dst_v, ones_v, deg_sh):
  c = lax.axis_index("c")
  s = lax.axis_index("s")
  wid = c * NS + s
  r0 = pl.multiple_of(s * ROWS_PER_SUB, 8)

  pltpu.sync_copy(z_hbm.at[pl.ds(r0, ROWS_PER_SUB)],
                  deg_sh.at[pl.ds(r0, ROWS_PER_SUB)])
  pltpu.sync_copy(ones_hbm, ones_v)
  pltpu.sync_copy(dst_hbm.at[wid], dst_v)

  plsc.subcore_barrier()

  def chunk(j, _):
    pltpu.sync_copy(ones_v, deg_sh.at[dst_v.at[j]], add=True)
    return 0

  lax.fori_loop(0, K, chunk, 0)

  plsc.subcore_barrier()

  pltpu.sync_copy(deg_sh.at[pl.ds(r0, ROWS_PER_SUB)],
                  deg_out.at[c, pl.ds(r0, ROWS_PER_SUB)])


@functools.cache
def _deg():
  return pl.kernel(
      _deg_body,
      out_type=jax.ShapeDtypeStruct((NC, NPAD, D), jnp.float32),
      mesh=_mesh(),
      scratch_types=[
          pltpu.VMEM((K, C), jnp.int32),
          pltpu.VMEM((C, D), jnp.float32),
          pltpu.VMEM_SHARED((NPAD, D), jnp.float32),
      ],
      name="sage_deg")


def _dense_body(agg_ref, scale_ref, h_ref, wl_ref, wr_ref, b_ref, g_ref,
                be_ref, o_ref):
  agg = agg_ref[0, :N, :] + agg_ref[1, :N, :]
  mean = agg * scale_ref[...]
  out = (jnp.dot(mean, wl_ref[...], preferred_element_type=jnp.float32)
         + jnp.dot(h_ref[...], wr_ref[...], preferred_element_type=jnp.float32)
         + b_ref[...])
  mu = jnp.mean(out, axis=0)
  var = jnp.mean((out - mu) ** 2, axis=0)
  inv = lax.rsqrt(var + 1e-5) * g_ref[...]
  o_ref[...] = jnp.maximum((out - mu) * inv + be_ref[...], 0.0)


def _scale_body(deg_ref, scale_ref):
  deg = deg_ref[0, :N, 0:1] + deg_ref[1, :N, 0:1]
  scale_ref[...] = 1.0 / jnp.maximum(deg, 1.0)


def _final_body(agg_ref, scale_ref, h_ref, wl_ref, wr_ref, b_ref, o_ref):
  agg = agg_ref[0, :N, :] + agg_ref[1, :N, :]
  mean = agg * scale_ref[...]
  out = (jnp.dot(mean, wl_ref[...], preferred_element_type=jnp.float32)
         + jnp.dot(h_ref[...], wr_ref[...], preferred_element_type=jnp.float32)
         + b_ref[...])
  m = jnp.max(out, axis=-1, keepdims=True)
  lse = jnp.log(jnp.sum(jnp.exp(out - m), axis=-1, keepdims=True))
  o_ref[...] = out - m - lse


_dense = pl.pallas_call(
    _dense_body, out_shape=jax.ShapeDtypeStruct((N, D), jnp.float32))
_scale = pl.pallas_call(
    _scale_body, out_shape=jax.ShapeDtypeStruct((N, 1), jnp.float32))
_final = pl.pallas_call(
    _final_body, out_shape=jax.ShapeDtypeStruct((N, 64), jnp.float32))


@jax.jit
def kernel(x, edge_index, relations, W1l, W1r, b1, g1, be1, W2l, W2r, b2, g2,
           be2, W3l, W3r, b3):
  del relations
  pad = E_PAD - E
  src = jnp.concatenate(
      [edge_index[0], jnp.zeros((pad,), jnp.int32)]).reshape(NW, K, C)
  pad_dst = N + (jnp.arange(pad, dtype=jnp.int32) % (NPAD - N))
  dst = jnp.concatenate([edge_index[1], pad_dst]).reshape(NW, K, C)
  z = jnp.zeros((NPAD, D), jnp.float32)
  ones = jnp.ones((C, D), jnp.float32)

  deg = _deg()(dst, z, ones)
  scale = _scale(deg)
  agg1 = _seg_sum()(x, src, dst, z)
  h1 = _dense(agg1, scale, x, W1l, W1r, b1, g1, be1)
  agg2 = _seg_sum()(h1, src, dst, z)
  h2 = _dense(agg2, scale, h1, W2l, W2r, b2, g2, be2)
  agg3 = _seg_sum()(h2, src, dst, z)
  return _final(agg3, scale, h2, W3l, W3r, b3)

# --- scband reference (transcript-rebuilt; emitter-appended) ---
"""Pipeline reference for scband-sage-18992345383143 (READ-ONLY COPY).

The authoritative reference and input builder live on the scoring server;
editing this copy changes nothing except your own understanding.
"""

import jax, jax.numpy as jnp
import numpy as np

N = 10000
E = 320000
D_IN = 128
D_H = 128
D_OUT = 64


def setup_inputs(seed: int = 0) -> dict:
    key = jax.random.key(seed)
    ks = jax.random.split(key, 16)
    x = jax.random.normal(ks[0], (N, D_IN), dtype=jnp.float32)
    edge_index = jax.random.randint(ks[1], (2, E), 0, N, dtype=jnp.int32)
    relations = jax.random.randint(ks[2], (E,), 0, 4, dtype=jnp.int32)
    def lin(k, fan_in, fan_out):
        return jax.random.normal(k, (fan_in, fan_out), dtype=jnp.float32) / np.sqrt(fan_in)
    # conv1: in -> hidden
    W1l = lin(ks[3], D_IN, D_H); W1r = lin(ks[4], D_IN, D_H); b1 = jnp.zeros((D_H,), jnp.float32)
    # conv2: hidden -> hidden
    W2l = lin(ks[5], D_H, D_H); W2r = lin(ks[6], D_H, D_H); b2 = jnp.zeros((D_H,), jnp.float32)
    # conv3: hidden -> out
    W3l = lin(ks[7], D_H, D_OUT); W3r = lin(ks[8], D_H, D_OUT); b3 = jnp.zeros((D_OUT,), jnp.float32)
    # batch norms
    g1 = jnp.ones((D_H,), jnp.float32); be1 = jnp.zeros((D_H,), jnp.float32)
    g2 = jnp.ones((D_H,), jnp.float32); be2 = jnp.zeros((D_H,), jnp.float32)
    return {"x": x, "edge_index": edge_index, "relations": relations,
            "W1l": W1l, "W1r": W1r, "b1": b1, "g1": g1, "be1": be1,
            "W2l": W2l, "W2r": W2r, "b2": b2, "g2": g2, "be2": be2,
            "W3l": W3l, "W3r": W3r, "b3": b3}


def _sage_conv(x, edge_index, Wl, Wr, b):
    # PyG-style SAGEConv with mean aggregation:
    # out = lin_l(mean_{j in N(i)} x_j) + lin_r(x_i)
    src = edge_index[0]
    dst = edge_index[1]
    msg = jnp.take(x, src, axis=0)                      # gather [E, d]
    agg = jax.ops.segment_sum(msg, dst, num_segments=x.shape[0])  # scatter-add
    deg = jax.ops.segment_sum(jnp.ones((edge_index.shape[1],), jnp.float32), dst,
                              num_segments=x.shape[0])
    mean = agg / jnp.clip(deg, 1.0, None)[:, None]
    return mean @ Wl + x @ Wr + b


def _batch_norm(x, g, b, eps=1e-5):
    mu = jnp.mean(x, axis=0)
    var = jnp.var(x, axis=0)
    return (x - mu) / jnp.sqrt(var + eps) * g + b


def reference(x, edge_index, relations,
              W1l, W1r, b1, g1, be1,
              W2l, W2r, b2, g2, be2,
              W3l, W3r, b3):
    # relations is unused by the original forward (kept for signature parity)
    h = _sage_conv(x, edge_index, W1l, W1r, b1)
    h = _batch_norm(h, g1, be1)
    h = jax.nn.relu(h)
    # dropout: identity in eval / deterministic reference
    h = _sage_conv(h, edge_index, W2l, W2r, b2)
    h = _batch_norm(h, g2, be2)
    h = jax.nn.relu(h)
    h = _sage_conv(h, edge_index, W3l, W3r, b3)
    return jax.nn.log_softmax(h, axis=-1)

if __name__ == "__main__":
    import jax
    _d = setup_inputs()
    print(jax.jit(kernel)(*tuple(_d.values())))

</pallas_src>

<mosaic_0001>
#map = affine_map<(d0, d1) -> (0, 0)>
#map1 = affine_map<(d0, d1) -> (0, 0, 0)>
module attributes {stable_mosaic.version = 14 : i64} {
  func.func @sage_seg_sum(%arg0: i32, %arg1: i32, %arg2: memref<10000x128xf32, #tpu.memory_space<hbm>>, %arg3: memref<32x84x120xi32, #tpu.memory_space<hbm>>, %arg4: memref<32x84x120xi32, #tpu.memory_space<hbm>>, %arg5: memref<10112x128xf32, #tpu.memory_space<hbm>>, %arg6: memref<2x10112x128xf32, #tpu.memory_space<hbm>>, %arg7: memref<84x120xi32, #tpu.memory_space<vmem>>, %arg8: memref<84x120xi32, #tpu.memory_space<vmem>>, %arg9: memref<120x128xf32, #tpu.memory_space<vmem>>, %arg10: memref<120x128xf32, #tpu.memory_space<vmem>>, %arg11: memref<10112x128xf32, #tpu.memory_space<vmem_shared>>, %arg12: memref<!tpu.dma_semaphore, #tpu.memory_space<semaphore_mem>>, %arg13: memref<!tpu.dma_semaphore, #tpu.memory_space<semaphore_mem>>) attributes {dimension_semantics = [#tpu.dimension_semantics<core_parallel>, #tpu.dimension_semantics<subcore_parallel>], iteration_bounds = array<i64: 2, 16>, scalar_prefetch = 0 : i64, scratch_operands = 7 : i64, tpu.core_type = #tpu.core_type<sc_vector_subcore>, window_params = [{transform_indices = #map}, {transform_indices = #map1}, {transform_indices = #map1}, {transform_indices = #map}, {transform_indices = #map1}]} {
    %mul3A = arith.constant 16 : i32
    %mul3A_0 = arith.muli %arg0, %mul3A : i32
    %add3A = arith.addi %mul3A_0, %arg1 : i32
    %mul3A_1 = arith.constant 632 : i32
    %mul3A_2 = arith.muli %arg1, %mul3A_1 : i32
    %multiple_of3A = tpu.assume_multiple %mul3A_2, 8 : i32
    "tpu.region"() ({
      %run_scoped3A = tpu.sem_alloc : memref<!tpu.dma_semaphore, #tpu.memory_space<semaphore_mem>>
      %dma_start3A = arith.constant 0 : i32
      %dma_start3A_10 = arith.constant 0 : i32
      %dma_start3A_11 = tpu.memref_slice %arg3[%add3A, %dma_start3A, %dma_start3A_10] : memref<32x84x120xi32, #tpu.memory_space<hbm>> -> memref<1x84x120xi32, #tpu.memory_space<hbm>>
      %dma_start3A_12 = tpu.memref_squeeze %dma_start3A_11 : memref<1x84x120xi32, #tpu.memory_space<hbm>> -> memref<84x120xi32, #tpu.memory_space<hbm>>
      %dma_start3A_13 = arith.constant 0 : i32
      %dma_start3A_14 = arith.constant 0 : i32
      %dma_start3A_15 = tpu.memref_slice %arg3[%add3A, %dma_start3A_13, %dma_start3A_14] : memref<32x84x120xi32, #tpu.memory_space<hbm>> -> memref<1x84x120xi32, #tpu.memory_space<hbm>>
      %dma_start3A_16 = tpu.memref_squeeze %dma_start3A_15 : memref<1x84x120xi32, #tpu.memory_space<hbm>> -> memref<84x120xi32, #tpu.memory_space<hbm>>
      tpu.enqueue_dma source(%dma_start3A_16 : memref<84x120xi32, #tpu.memory_space<hbm>>) target(%arg7 : memref<84x120xi32, #tpu.memory_space<vmem>>) target_semaphore(%run_scoped3A : memref<!tpu.dma_semaphore, #tpu.memory_space<semaphore_mem>>)
      %dma_wait3A = arith.constant 0 : i32
      %dma_wait3A_17 = arith.constant 0 : i32
      %dma_wait3A_18 = tpu.memref_slice %arg3[%add3A, %dma_wait3A, %dma_wait3A_17] : memref<32x84x120xi32, #tpu.memory_space<hbm>> -> memref<1x84x120xi32, #tpu.memory_space<hbm>>
      %dma_wait3A_19 = tpu.memref_squeeze %dma_wait3A_18 : memref<1x84x120xi32, #tpu.memory_space<hbm>> -> memref<84x120xi32, #tpu.memory_space<hbm>>
      %dma_wait3A_20 = arith.constant 0 : i32
      %dma_wait3A_21 = arith.constant 0 : i32
      %dma_wait3A_22 = tpu.memref_slice %arg3[%add3A, %dma_wait3A_20, %dma_wait3A_21] : memref<32x84x120xi32, #tpu.memory_space<hbm>> -> memref<1x84x120xi32, #tpu.memory_space<hbm>>
      %dma_wait3A_23 = tpu.memref_squeeze %dma_wait3A_22 : memref<1x84x120xi32, #tpu.memory_space<hbm>> -> memref<84x120xi32, #tpu.memory_space<hbm>>
      tpu.wait_dma2 semaphore(%run_scoped3A : memref<!tpu.dma_semaphore, #tpu.memory_space<semaphore_mem>>) src(%dma_wait3A_23 : memref<84x120xi32, #tpu.memory_space<hbm>>) dst(%arg7 : memref<84x120xi32, #tpu.memory_space<vmem>>)
      tpu.yield
    }) : () -> ()
    "tpu.region"() ({
      %run_scoped3A = tpu.sem_alloc : memref<!tpu.dma_semaphore, #tpu.memory_space<semaphore_mem>>
      %dma_start3A = arith.constant 0 : i32
      %dma_start3A_10 = arith.constant 0 : i32
      %dma_start3A_11 = tpu.memref_slice %arg4[%add3A, %dma_start3A, %dma_start3A_10] : memref<32x84x120xi32, #tpu.memory_space<hbm>> -> memref<1x84x120xi32, #tpu.memory_space<hbm>>
      %dma_start3A_12 = tpu.memref_squeeze %dma_start3A_11 : memref<1x84x120xi32, #tpu.memory_space<hbm>> -> memref<84x120xi32, #tpu.memory_space<hbm>>
      %dma_start3A_13 = arith.constant 0 : i32
      %dma_start3A_14 = arith.constant 0 : i32
      %dma_start3A_15 = tpu.memref_slice %arg4[%add3A, %dma_start3A_13, %dma_start3A_14] : memref<32x84x120xi32, #tpu.memory_space<hbm>> -> memref<1x84x120xi32, #tpu.memory_space<hbm>>
      %dma_start3A_16 = tpu.memref_squeeze %dma_start3A_15 : memref<1x84x120xi32, #tpu.memory_space<hbm>> -> memref<84x120xi32, #tpu.memory_space<hbm>>
      tpu.enqueue_dma source(%dma_start3A_16 : memref<84x120xi32, #tpu.memory_space<hbm>>) target(%arg8 : memref<84x120xi32, #tpu.memory_space<vmem>>) target_semaphore(%run_scoped3A : memref<!tpu.dma_semaphore, #tpu.memory_space<semaphore_mem>>)
      %dma_wait3A = arith.constant 0 : i32
      %dma_wait3A_17 = arith.constant 0 : i32
      %dma_wait3A_18 = tpu.memref_slice %arg4[%add3A, %dma_wait3A, %dma_wait3A_17] : memref<32x84x120xi32, #tpu.memory_space<hbm>> -> memref<1x84x120xi32, #tpu.memory_space<hbm>>
      %dma_wait3A_19 = tpu.memref_squeeze %dma_wait3A_18 : memref<1x84x120xi32, #tpu.memory_space<hbm>> -> memref<84x120xi32, #tpu.memory_space<hbm>>
      %dma_wait3A_20 = arith.constant 0 : i32
      %dma_wait3A_21 = arith.constant 0 : i32
      %dma_wait3A_22 = tpu.memref_slice %arg4[%add3A, %dma_wait3A_20, %dma_wait3A_21] : memref<32x84x120xi32, #tpu.memory_space<hbm>> -> memref<1x84x120xi32, #tpu.memory_space<hbm>>
      %dma_wait3A_23 = tpu.memref_squeeze %dma_wait3A_22 : memref<1x84x120xi32, #tpu.memory_space<hbm>> -> memref<84x120xi32, #tpu.memory_space<hbm>>
      tpu.wait_dma2 semaphore(%run_scoped3A : memref<!tpu.dma_semaphore, #tpu.memory_space<semaphore_mem>>) src(%dma_wait3A_23 : memref<84x120xi32, #tpu.memory_space<hbm>>) dst(%arg8 : memref<84x120xi32, #tpu.memory_space<vmem>>)
      tpu.yield
    }) : () -> ()
    "tpu.region"() ({
      %run_scoped3A = tpu.sem_alloc : memref<!tpu.dma_semaphore, #tpu.memory_space<semaphore_mem>>
      %dma_start3A = arith.constant 0 : i32
      %dma_start3A_10 = tpu.memref_slice %arg11[%multiple_of3A, %dma_start3A] : memref<10112x128xf32, #tpu.memory_space<vmem_shared>> -> memref<632x128xf32, #tpu.memory_space<vmem_shared>>
      %dma_start3A_11 = arith.constant 0 : i32
      %dma_start3A_12 = tpu.memref_slice %arg5[%multiple_of3A, %dma_start3A_11] : memref<10112x128xf32, #tpu.memory_space<hbm>> -> memref<632x128xf32, #tpu.memory_space<hbm>>
      tpu.enqueue_dma source(%dma_start3A_12 : memref<632x128xf32, #tpu.memory_space<hbm>>) target(%dma_start3A_10 : memref<632x128xf32, #tpu.memory_space<vmem_shared>>) target_semaphore(%run_scoped3A : memref<!tpu.dma_semaphore, #tpu.memory_space<semaphore_mem>>)
      %dma_wait3A = arith.constant 0 : i32
      %dma_wait3A_13 = tpu.memref_slice %arg11[%multiple_of3A, %dma_wait3A] : memref<10112x128xf32, #tpu.memory_space<vmem_shared>> -> memref<632x128xf32, #tpu.memory_space<vmem_shared>>
      %dma_wait3A_14 = arith.constant 0 : i32
      %dma_wait3A_15 = tpu.memref_slice %arg5[%multiple_of3A, %dma_wait3A_14] : memref<10112x128xf32, #tpu.memory_space<hbm>> -> memref<632x128xf32, #tpu.memory_space<hbm>>
      tpu.wait_dma2 semaphore(%run_scoped3A : memref<!tpu.dma_semaphore, #tpu.memory_space<semaphore_mem>>) src(%dma_wait3A_15 : memref<632x128xf32, #tpu.memory_space<hbm>>) dst(%dma_wait3A_13 : memref<632x128xf32, #tpu.memory_space<vmem_shared>>)
      tpu.yield
    }) : () -> ()
    %barrier3A = arith.constant 0 : index
    tpu.barrier barrier_id(%barrier3A)
    %scan3A = arith.constant 0 : i32
    %scan3A_3 = arith.constant 0 : i32
    %scan3A_4 = arith.constant 84 : i32
    %scan3A_5 = arith.addi %scan3A_3, %scan3A_4 : i32
    %scan3A_6 = arith.constant 1 : i32
    %scan3A_7 = scf.for %scan3A_10 = %scan3A_3 to %scan3A_5 step %scan3A_6 iter_args(%scan3A_11 = %scan3A) -> (i32)  : i32 {
      %dma_start3A = arith.constant 0 : i32
      %dma_start3A_12 = tpu.memref_slice %arg7[%scan3A_10, %dma_start3A] : memref<84x120xi32, #tpu.memory_space<vmem>> -> memref<1x120xi32, #tpu.memory_space<vmem>>
      %dma_start3A_13 = tpu.memref_squeeze %dma_start3A_12 : memref<1x120xi32, #tpu.memory_space<vmem>> -> memref<120xi32, #tpu.memory_space<vmem>>
      %dma_start3A_14 = arith.constant 0 : i32
      %dma_start3A_15 = arith.constant 0 : i32
      %dma_start3A_16 = tpu.memref_slice %arg2[%dma_start3A_14, %dma_start3A_15] : memref<10000x128xf32, #tpu.memory_space<hbm>> -> memref<10000x128xf32, #tpu.memory_space<hbm>>
      tpu.enqueue_indirect_dma source(%dma_start3A_16 : memref<10000x128xf32, #tpu.memory_space<hbm>>) target(%arg9 : memref<120x128xf32, #tpu.memory_space<vmem>>) offsets(%dma_start3A_13 : memref<120xi32, #tpu.memory_space<vmem>>) semaphore(%arg12 : memref<!tpu.dma_semaphore, #tpu.memory_space<semaphore_mem>>)
      %dma_wait3A = arith.constant 0 : i32
      %dma_wait3A_17 = tpu.memref_slice %arg7[%scan3A_10, %dma_wait3A] : memref<84x120xi32, #tpu.memory_space<vmem>> -> memref<1x120xi32, #tpu.memory_space<vmem>>
      %dma_wait3A_18 = tpu.memref_squeeze %dma_wait3A_17 : memref<1x120xi32, #tpu.memory_space<vmem>> -> memref<120xi32, #tpu.memory_space<vmem>>
      %dma_wait3A_19 = arith.constant 0 : i32
      %dma_wait3A_20 = arith.constant 0 : i32
      %dma_wait3A_21 = tpu.memref_slice %arg2[%dma_wait3A_19, %dma_wait3A_20] : memref<10000x128xf32, #tpu.memory_space<hbm>> -> memref<10000x128xf32, #tpu.memory_space<hbm>>
      tpu.wait_indirect_dma semaphore(%arg12 : memref<!tpu.dma_semaphore, #tpu.memory_space<semaphore_mem>>) src(%dma_wait3A_21 : memref<10000x128xf32, #tpu.memory_space<hbm>>) dst(%arg9 : memref<120x128xf32, #tpu.memory_space<vmem>>)
      "tpu.region"() ({
        %run_scoped3A = tpu.sem_alloc : memref<!tpu.dma_semaphore, #tpu.memory_space<semaphore_mem>>
        %dma_start3A_23 = arith.constant 0 : i32
        %dma_start3A_24 = tpu.memref_slice %arg8[%scan3A_10, %dma_start3A_23] : memref<84x120xi32, #tpu.memory_space<vmem>> -> memref<1x120xi32, #tpu.memory_space<vmem>>
        %dma_start3A_25 = tpu.memref_squeeze %dma_start3A_24 : memref<1x120xi32, #tpu.memory_space<vmem>> -> memref<120xi32, #tpu.memory_space<vmem>>
        %dma_start3A_26 = arith.constant 0 : i32
        %dma_start3A_27 = arith.constant 0 : i32
        %dma_start3A_28 = tpu.memref_slice %arg11[%dma_start3A_26, %dma_start3A_27] : memref<10112x128xf32, #tpu.memory_space<vmem_shared>> -> memref<10112x128xf32, #tpu.memory_space<vmem_shared>>
        tpu.enqueue_indirect_dma source(%arg9 : memref<120x128xf32, #tpu.memory_space<vmem>>) target(%dma_start3A_28 : memref<10112x128xf32, #tpu.memory_space<vmem_shared>>) offsets(%dma_start3A_25 : memref<120xi32, #tpu.memory_space<vmem>>) semaphore(%run_scoped3A : memref<!tpu.dma_semaphore, #tpu.memory_space<semaphore_mem>>) {add = true}
        %dma_wait3A_29 = arith.constant 0 : i32
        %dma_wait3A_30 = tpu.memref_slice %arg8[%scan3A_10, %dma_wait3A_29] : memref<84x120xi32, #tpu.memory_space<vmem>> -> memref<1x120xi32, #tpu.memory_space<vmem>>
        %dma_wait3A_31 = tpu.memref_squeeze %dma_wait3A_30 : memref<1x120xi32, #tpu.memory_space<vmem>> -> memref<120xi32, #tpu.memory_space<vmem>>
        %dma_wait3A_32 = arith.constant 0 : i32
        %dma_wait3A_33 = arith.constant 0 : i32
        %dma_wait3A_34 = tpu.memref_slice %arg11[%dma_wait3A_32, %dma_wait3A_33] : memref<10112x128xf32, #tpu.memory_space<vmem_shared>> -> memref<10112x128xf32, #tpu.memory_space<vmem_shared>>
        tpu.wait_indirect_dma semaphore(%run_scoped3A : memref<!tpu.dma_semaphore, #tpu.memory_space<semaphore_mem>>) src(%arg9 : memref<120x128xf32, #tpu.memory_space<vmem>>) dst(%dma_wait3A_34 : memref<10112x128xf32, #tpu.memory_space<vmem_shared>>)
        tpu.yield
      }) : () -> ()
      %scan3A_22 = arith.constant 0 : i32
      scf.yield %scan3A_22 : i32
    }
    %scan3A_8 = arith.constant 84 : i32
    %barrier3A_9 = arith.constant 0 : index
    tpu.barrier barrier_id(%barrier3A_9)
    "tpu.region"() ({
      %run_scoped3A = tpu.sem_alloc : memref<!tpu.dma_semaphore, #tpu.memory_space<semaphore_mem>>
      %dma_start3A = arith.constant 0 : i32
      %dma_start3A_10 = tpu.memref_slice %arg6[%arg0, %multiple_of3A, %dma_start3A] : memref<2x10112x128xf32, #tpu.memory_space<hbm>> -> memref<1x632x128xf32, #tpu.memory_space<hbm>>
      %dma_start3A_11 = tpu.memref_squeeze %dma_start3A_10 : memref<1x632x128xf32, #tpu.memory_space<hbm>> -> memref<632x128xf32, #tpu.memory_space<hbm>>
      %dma_start3A_12 = arith.constant 0 : i32
      %dma_start3A_13 = tpu.memref_slice %arg11[%multiple_of3A, %dma_start3A_12] : memref<10112x128xf32, #tpu.memory_space<vmem_shared>> -> memref<632x128xf32, #tpu.memory_space<vmem_shared>>
      tpu.enqueue_dma source(%dma_start3A_13 : memref<632x128xf32, #tpu.memory_space<vmem_shared>>) target(%dma_start3A_11 : memref<632x128xf32, #tpu.memory_space<hbm>>) target_semaphore(%run_scoped3A : memref<!tpu.dma_semaphore, #tpu.memory_space<semaphore_mem>>)
      %dma_wait3A = arith.constant 0 : i32
      %dma_wait3A_14 = tpu.memref_slice %arg6[%arg0, %multiple_of3A, %dma_wait3A] : memref<2x10112x128xf32, #tpu.memory_space<hbm>> -> memref<1x632x128xf32, #tpu.memory_space<hbm>>
      %dma_wait3A_15 = tpu.memref_squeeze %dma_wait3A_14 : memref<1x632x128xf32, #tpu.memory_space<hbm>> -> memref<632x128xf32, #tpu.memory_space<hbm>>
      %dma_wait3A_16 = arith.constant 0 : i32
      %dma_wait3A_17 = tpu.memref_slice %arg11[%multiple_of3A, %dma_wait3A_16] : memref<10112x128xf32, #tpu.memory_space<vmem_shared>> -> memref<632x128xf32, #tpu.memory_space<vmem_shared>>
      tpu.wait_dma2 semaphore(%run_scoped3A : memref<!tpu.dma_semaphore, #tpu.memory_space<semaphore_mem>>) src(%dma_wait3A_17 : memref<632x128xf32, #tpu.memory_space<vmem_shared>>) dst(%dma_wait3A_15 : memref<632x128xf32, #tpu.memory_space<hbm>>)
      tpu.yield
    }) : () -> ()
    return
  }
}

#map = affine_map<(d0, d1) -> (0, 0, 0)>
#map1 = affine_map<(d0, d1) -> (0, 0)>
module attributes {stable_mosaic.version = 14 : i64} {
  func.func @sage_deg(%arg0: i32, %arg1: i32, %arg2: memref<32x84x120xi32, #tpu.memory_space<hbm>>, %arg3: memref<10112x128xf32, #tpu.memory_space<hbm>>, %arg4: memref<120x128xf32, #tpu.memory_space<hbm>>, %arg5: memref<2x10112x128xf32, #tpu.memory_space<hbm>>, %arg6: memref<84x120xi32, #tpu.memory_space<vmem>>, %arg7: memref<120x128xf32, #tpu.memory_space<vmem>>, %arg8: memref<10112x128xf32, #tpu.memory_space<vmem_shared>>) attributes {dimension_semantics = [#tpu.dimension_semantics<core_parallel>, #tpu.dimension_semantics<subcore_parallel>], iteration_bounds = array<i64: 2, 16>, scalar_prefetch = 0 : i64, scratch_operands = 3 : i64, tpu.core_type = #tpu.core_type<sc_vector_subcore>, window_params = [{transform_indices = #map}, {transform_indices = #map1}, {transform_indices = #map1}, {transform_indices = #map}]} {
    %mul3A = arith.constant 16 : i32
    %mul3A_0 = arith.muli %arg0, %mul3A : i32
    %add3A = arith.addi %mul3A_0, %arg1 : i32
    %mul3A_1 = arith.constant 632 : i32
    %mul3A_2 = arith.muli %arg1, %mul3A_1 : i32
    %multiple_of3A = tpu.assume_multiple %mul3A_2, 8 : i32
    "tpu.region"() ({
      %run_scoped3A = tpu.sem_alloc : memref<!tpu.dma_semaphore, #tpu.memory_space<semaphore_mem>>
      %dma_start3A = arith.constant 0 : i32
      %dma_start3A_10 = tpu.memref_slice %arg8[%multiple_of3A, %dma_start3A] : memref<10112x128xf32, #tpu.memory_space<vmem_shared>> -> memref<632x128xf32, #tpu.memory_space<vmem_shared>>
      %dma_start3A_11 = arith.constant 0 : i32
      %dma_start3A_12 = tpu.memref_slice %arg3[%multiple_of3A, %dma_start3A_11] : memref<10112x128xf32, #tpu.memory_space<hbm>> -> memref<632x128xf32, #tpu.memory_space<hbm>>
      tpu.enqueue_dma source(%dma_start3A_12 : memref<632x128xf32, #tpu.memory_space<hbm>>) target(%dma_start3A_10 : memref<632x128xf32, #tpu.memory_space<vmem_shared>>) target_semaphore(%run_scoped3A : memref<!tpu.dma_semaphore, #tpu.memory_space<semaphore_mem>>)
      %dma_wait3A = arith.constant 0 : i32
      %dma_wait3A_13 = tpu.memref_slice %arg8[%multiple_of3A, %dma_wait3A] : memref<10112x128xf32, #tpu.memory_space<vmem_shared>> -> memref<632x128xf32, #tpu.memory_space<vmem_shared>>
      %dma_wait3A_14 = arith.constant 0 : i32
      %dma_wait3A_15 = tpu.memref_slice %arg3[%multiple_of3A, %dma_wait3A_14] : memref<10112x128xf32, #tpu.memory_space<hbm>> -> memref<632x128xf32, #tpu.memory_space<hbm>>
      tpu.wait_dma2 semaphore(%run_scoped3A : memref<!tpu.dma_semaphore, #tpu.memory_space<semaphore_mem>>) src(%dma_wait3A_15 : memref<632x128xf32, #tpu.memory_space<hbm>>) dst(%dma_wait3A_13 : memref<632x128xf32, #tpu.memory_space<vmem_shared>>)
      tpu.yield
    }) : () -> ()
    "tpu.region"() ({
      %run_scoped3A = tpu.sem_alloc : memref<!tpu.dma_semaphore, #tpu.memory_space<semaphore_mem>>
      tpu.enqueue_dma source(%arg4 : memref<120x128xf32, #tpu.memory_space<hbm>>) target(%arg7 : memref<120x128xf32, #tpu.memory_space<vmem>>) target_semaphore(%run_scoped3A : memref<!tpu.dma_semaphore, #tpu.memory_space<semaphore_mem>>)
      tpu.wait_dma2 semaphore(%run_scoped3A : memref<!tpu.dma_semaphore, #tpu.memory_space<semaphore_mem>>) src(%arg4 : memref<120x128xf32, #tpu.memory_space<hbm>>) dst(%arg7 : memref<120x128xf32, #tpu.memory_space<vmem>>)
      tpu.yield
    }) : () -> ()
    "tpu.region"() ({
      %run_scoped3A = tpu.sem_alloc : memref<!tpu.dma_semaphore, #tpu.memory_space<semaphore_mem>>
      %dma_start3A = arith.constant 0 : i32
      %dma_start3A_10 = arith.constant 0 : i32
      %dma_start3A_11 = tpu.memref_slice %arg2[%add3A, %dma_start3A, %dma_start3A_10] : memref<32x84x120xi32, #tpu.memory_space<hbm>> -> memref<1x84x120xi32, #tpu.memory_space<hbm>>
      %dma_start3A_12 = tpu.memref_squeeze %dma_start3A_11 : memref<1x84x120xi32, #tpu.memory_space<hbm>> -> memref<84x120xi32, #tpu.memory_space<hbm>>
      %dma_start3A_13 = arith.constant 0 : i32
      %dma_start3A_14 = arith.constant 0 : i32
      %dma_start3A_15 = tpu.memref_slice %arg2[%add3A, %dma_start3A_13, %dma_start3A_14] : memref<32x84x120xi32, #tpu.memory_space<hbm>> -> memref<1x84x120xi32, #tpu.memory_space<hbm>>
      %dma_start3A_16 = tpu.memref_squeeze %dma_start3A_15 : memref<1x84x120xi32, #tpu.memory_space<hbm>> -> memref<84x120xi32, #tpu.memory_space<hbm>>
      tpu.enqueue_dma source(%dma_start3A_16 : memref<84x120xi32, #tpu.memory_space<hbm>>) target(%arg6 : memref<84x120xi32, #tpu.memory_space<vmem>>) target_semaphore(%run_scoped3A : memref<!tpu.dma_semaphore, #tpu.memory_space<semaphore_mem>>)
      %dma_wait3A = arith.constant 0 : i32
      %dma_wait3A_17 = arith.constant 0 : i32
      %dma_wait3A_18 = tpu.memref_slice %arg2[%add3A, %dma_wait3A, %dma_wait3A_17] : memref<32x84x120xi32, #tpu.memory_space<hbm>> -> memref<1x84x120xi32, #tpu.memory_space<hbm>>
      %dma_wait3A_19 = tpu.memref_squeeze %dma_wait3A_18 : memref<1x84x120xi32, #tpu.memory_space<hbm>> -> memref<84x120xi32, #tpu.memory_space<hbm>>
      %dma_wait3A_20 = arith.constant 0 : i32
      %dma_wait3A_21 = arith.constant 0 : i32
      %dma_wait3A_22 = tpu.memref_slice %arg2[%add3A, %dma_wait3A_20, %dma_wait3A_21] : memref<32x84x120xi32, #tpu.memory_space<hbm>> -> memref<1x84x120xi32, #tpu.memory_space<hbm>>
      %dma_wait3A_23 = tpu.memref_squeeze %dma_wait3A_22 : memref<1x84x120xi32, #tpu.memory_space<hbm>> -> memref<84x120xi32, #tpu.memory_space<hbm>>
      tpu.wait_dma2 semaphore(%run_scoped3A : memref<!tpu.dma_semaphore, #tpu.memory_space<semaphore_mem>>) src(%dma_wait3A_23 : memref<84x120xi32, #tpu.memory_space<hbm>>) dst(%arg6 : memref<84x120xi32, #tpu.memory_space<vmem>>)
      tpu.yield
    }) : () -> ()
    %barrier3A = arith.constant 0 : index
    tpu.barrier barrier_id(%barrier3A)
    %scan3A = arith.constant 0 : i32
    %scan3A_3 = arith.constant 0 : i32
    %scan3A_4 = arith.constant 84 : i32
    %scan3A_5 = arith.addi %scan3A_3, %scan3A_4 : i32
    %scan3A_6 = arith.constant 1 : i32
    %scan3A_7 = scf.for %scan3A_10 = %scan3A_3 to %scan3A_5 step %scan3A_6 iter_args(%scan3A_11 = %scan3A) -> (i32)  : i32 {
      "tpu.region"() ({
        %run_scoped3A = tpu.sem_alloc : memref<!tpu.dma_semaphore, #tpu.memory_space<semaphore_mem>>
        %dma_start3A = arith.constant 0 : i32
        %dma_start3A_13 = tpu.memref_slice %arg6[%scan3A_10, %dma_start3A] : memref<84x120xi32, #tpu.memory_space<vmem>> -> memref<1x120xi32, #tpu.memory_space<vmem>>
        %dma_start3A_14 = tpu.memref_squeeze %dma_start3A_13 : memref<1x120xi32, #tpu.memory_space<vmem>> -> memref<120xi32, #tpu.memory_space<vmem>>
        %dma_start3A_15 = arith.constant 0 : i32
        %dma_start3A_16 = arith.constant 0 : i32
        %dma_start3A_17 = tpu.memref_slice %arg8[%dma_start3A_15, %dma_start3A_16] : memref<10112x128xf32, #tpu.memory_space<vmem_shared>> -> memref<10112x128xf32, #tpu.memory_space<vmem_shared>>
        tpu.enqueue_indirect_dma source(%arg7 : memref<120x128xf32, #tpu.memory_space<vmem>>) target(%dma_start3A_17 : memref<10112x128xf32, #tpu.memory_space<vmem_shared>>) offsets(%dma_start3A_14 : memref<120xi32, #tpu.memory_space<vmem>>) semaphore(%run_scoped3A : memref<!tpu.dma_semaphore, #tpu.memory_space<semaphore_mem>>) {add = true}
        %dma_wait3A = arith.constant 0 : i32
        %dma_wait3A_18 = tpu.memref_slice %arg6[%scan3A_10, %dma_wait3A] : memref<84x120xi32, #tpu.memory_space<vmem>> -> memref<1x120xi32, #tpu.memory_space<vmem>>
        %dma_wait3A_19 = tpu.memref_squeeze %dma_wait3A_18 : memref<1x120xi32, #tpu.memory_space<vmem>> -> memref<120xi32, #tpu.memory_space<vmem>>
        %dma_wait3A_20 = arith.constant 0 : i32
        %dma_wait3A_21 = arith.constant 0 : i32
        %dma_wait3A_22 = tpu.memref_slice %arg8[%dma_wait3A_20, %dma_wait3A_21] : memref<10112x128xf32, #tpu.memory_space<vmem_shared>> -> memref<10112x128xf32, #tpu.memory_space<vmem_shared>>
        tpu.wait_indirect_dma semaphore(%run_scoped3A : memref<!tpu.dma_semaphore, #tpu.memory_space<semaphore_mem>>) src(%arg7 : memref<120x128xf32, #tpu.memory_space<vmem>>) dst(%dma_wait3A_22 : memref<10112x128xf32, #tpu.memory_space<vmem_shared>>)
        tpu.yield
      }) : () -> ()
      %scan3A_12 = arith.constant 0 : i32
      scf.yield %scan3A_12 : i32
    }
    %scan3A_8 = arith.constant 84 : i32
    %barrier3A_9 = arith.constant 0 : index
    tpu.barrier barrier_id(%barrier3A_9)
    "tpu.region"() ({
      %run_scoped3A = tpu.sem_alloc : memref<!tpu.dma_semaphore, #tpu.memory_space<semaphore_mem>>
      %dma_start3A = arith.constant 0 : i32
      %dma_start3A_10 = tpu.memref_slice %arg5[%arg0, %multiple_of3A, %dma_start3A] : memref<2x10112x128xf32, #tpu.memory_space<hbm>> -> memref<1x632x128xf32, #tpu.memory_space<hbm>>
      %dma_start3A_11 = tpu.memref_squeeze %dma_start3A_10 : memref<1x632x128xf32, #tpu.memory_space<hbm>> -> memref<632x128xf32, #tpu.memory_space<hbm>>
      %dma_start3A_12 = arith.constant 0 : i32
      %dma_start3A_13 = tpu.memref_slice %arg8[%multiple_of3A, %dma_start3A_12] : memref<10112x128xf32, #tpu.memory_space<vmem_shared>> -> memref<632x128xf32, #tpu.memory_space<vmem_shared>>
      tpu.enqueue_dma source(%dma_start3A_13 : memref<632x128xf32, #tpu.memory_space<vmem_shared>>) target(%dma_start3A_11 : memref<632x128xf32, #tpu.memory_space<hbm>>) target_semaphore(%run_scoped3A : memref<!tpu.dma_semaphore, #tpu.memory_space<semaphore_mem>>)
      %dma_wait3A = arith.constant 0 : i32
      %dma_wait3A_14 = tpu.memref_slice %arg5[%arg0, %multiple_of3A, %dma_wait3A] : memref<2x10112x128xf32, #tpu.memory_space<hbm>> -> memref<1x632x128xf32, #tpu.memory_space<hbm>>
      %dma_wait3A_15 = tpu.memref_squeeze %dma_wait3A_14 : memref<1x632x128xf32, #tpu.memory_space<hbm>> -> memref<632x128xf32, #tpu.memory_space<hbm>>
      %dma_wait3A_16 = arith.constant 0 : i32
      %dma_wait3A_17 = tpu.memref_slice %arg8[%multiple_of3A, %dma_wait3A_16] : memref<10112x128xf32, #tpu.memory_space<vmem_shared>> -> memref<632x128xf32, #tpu.memory_space<vmem_shared>>
      tpu.wait_dma2 semaphore(%run_scoped3A : memref<!tpu.dma_semaphore, #tpu.memory_space<semaphore_mem>>) src(%dma_wait3A_17 : memref<632x128xf32, #tpu.memory_space<vmem_shared>>) dst(%dma_wait3A_15 : memref<632x128xf32, #tpu.memory_space<hbm>>)
      tpu.yield
    }) : () -> ()
    return
  }
}

#map = affine_map<(d0, d1) -> (0, 0)>
#map1 = affine_map<(d0, d1) -> (0, 0, 0)>
module attributes {stable_mosaic.version = 14 : i64} {
  func.func @sage_seg_sum(%arg0: i32, %arg1: i32, %arg2: memref<10000x128xf32, #tpu.memory_space<hbm>>, %arg3: memref<32x84x120xi32, #tpu.memory_space<hbm>>, %arg4: memref<32x84x120xi32, #tpu.memory_space<hbm>>, %arg5: memref<10112x128xf32, #tpu.memory_space<hbm>>, %arg6: memref<2x10112x128xf32, #tpu.memory_space<hbm>>, %arg7: memref<84x120xi32, #tpu.memory_space<vmem>>, %arg8: memref<84x120xi32, #tpu.memory_space<vmem>>, %arg9: memref<120x128xf32, #tpu.memory_space<vmem>>, %arg10: memref<120x128xf32, #tpu.memory_space<vmem>>, %arg11: memref<10112x128xf32, #tpu.memory_space<vmem_shared>>, %arg12: memref<!tpu.dma_semaphore, #tpu.memory_space<semaphore_mem>>, %arg13: memref<!tpu.dma_semaphore, #tpu.memory_space<semaphore_mem>>) attributes {dimension_semantics = [#tpu.dimension_semantics<core_parallel>, #tpu.dimension_semantics<subcore_parallel>], iteration_bounds = array<i64: 2, 16>, scalar_prefetch = 0 : i64, scratch_operands = 7 : i64, tpu.core_type = #tpu.core_type<sc_vector_subcore>, window_params = [{transform_indices = #map}, {transform_indices = #map1}, {transform_indices = #map1}, {transform_indices = #map}, {transform_indices = #map1}]} {
    %mul3A = arith.constant 16 : i32
    %mul3A_0 = arith.muli %arg0, %mul3A : i32
    %add3A = arith.addi %mul3A_0, %arg1 : i32
    %mul3A_1 = arith.constant 632 : i32
    %mul3A_2 = arith.muli %arg1, %mul3A_1 : i32
    %multiple_of3A = tpu.assume_multiple %mul3A_2, 8 : i32
    "tpu.region"() ({
      %run_scoped3A = tpu.sem_alloc : memref<!tpu.dma_semaphore, #tpu.memory_space<semaphore_mem>>
      %dma_start3A = arith.constant 0 : i32
      %dma_start3A_10 = arith.constant 0 : i32
      %dma_start3A_11 = tpu.memref_slice %arg3[%add3A, %dma_start3A, %dma_start3A_10] : memref<32x84x120xi32, #tpu.memory_space<hbm>> -> memref<1x84x120xi32, #tpu.memory_space<hbm>>
      %dma_start3A_12 = tpu.memref_squeeze %dma_start3A_11 : memref<1x84x120xi32, #tpu.memory_space<hbm>> -> memref<84x120xi32, #tpu.memory_space<hbm>>
      %dma_start3A_13 = arith.constant 0 : i32
      %dma_start3A_14 = arith.constant 0 : i32
      %dma_start3A_15 = tpu.memref_slice %arg3[%add3A, %dma_start3A_13, %dma_start3A_14] : memref<32x84x120xi32, #tpu.memory_space<hbm>> -> memref<1x84x120xi32, #tpu.memory_space<hbm>>
      %dma_start3A_16 = tpu.memref_squeeze %dma_start3A_15 : memref<1x84x120xi32, #tpu.memory_space<hbm>> -> memref<84x120xi32, #tpu.memory_space<hbm>>
      tpu.enqueue_dma source(%dma_start3A_16 : memref<84x120xi32, #tpu.memory_space<hbm>>) target(%arg7 : memref<84x120xi32, #tpu.memory_space<vmem>>) target_semaphore(%run_scoped3A : memref<!tpu.dma_semaphore, #tpu.memory_space<semaphore_mem>>)
      %dma_wait3A = arith.constant 0 : i32
      %dma_wait3A_17 = arith.constant 0 : i32
      %dma_wait3A_18 = tpu.memref_slice %arg3[%add3A, %dma_wait3A, %dma_wait3A_17] : memref<32x84x120xi32, #tpu.memory_space<hbm>> -> memref<1x84x120xi32, #tpu.memory_space<hbm>>
      %dma_wait3A_19 = tpu.memref_squeeze %dma_wait3A_18 : memref<1x84x120xi32, #tpu.memory_space<hbm>> -> memref<84x120xi32, #tpu.memory_space<hbm>>
      %dma_wait3A_20 = arith.constant 0 : i32
      %dma_wait3A_21 = arith.constant 0 : i32
      %dma_wait3A_22 = tpu.memref_slice %arg3[%add3A, %dma_wait3A_20, %dma_wait3A_21] : memref<32x84x120xi32, #tpu.memory_space<hbm>> -> memref<1x84x120xi32, #tpu.memory_space<hbm>>
      %dma_wait3A_23 = tpu.memref_squeeze %dma_wait3A_22 : memref<1x84x120xi32, #tpu.memory_space<hbm>> -> memref<84x120xi32, #tpu.memory_space<hbm>>
      tpu.wait_dma2 semaphore(%run_scoped3A : memref<!tpu.dma_semaphore, #tpu.memory_space<semaphore_mem>>) src(%dma_wait3A_23 : memref<84x120xi32, #tpu.memory_space<hbm>>) dst(%arg7 : memref<84x120xi32, #tpu.memory_space<vmem>>)
      tpu.yield
    }) : () -> ()
    "tpu.region"() ({
      %run_scoped3A = tpu.sem_alloc : memref<!tpu.dma_semaphore, #tpu.memory_space<semaphore_mem>>
      %dma_start3A = arith.constant 0 : i32
      %dma_start3A_10 = arith.constant 0 : i32
      %dma_start3A_11 = tpu.memref_slice %arg4[%add3A, %dma_start3A, %dma_start3A_10] : memref<32x84x120xi32, #tpu.memory_space<hbm>> -> memref<1x84x120xi32, #tpu.memory_space<hbm>>
      %dma_start3A_12 = tpu.memref_squeeze %dma_start3A_11 : memref<1x84x120xi32, #tpu.memory_space<hbm>> -> memref<84x120xi32, #tpu.memory_space<hbm>>
      %dma_start3A_13 = arith.constant 0 : i32
      %dma_start3A_14 = arith.constant 0 : i32
      %dma_start3A_15 = tpu.memref_slice %arg4[%add3A, %dma_start3A_13, %dma_start3A_14] : memref<32x84x120xi32, #tpu.memory_space<hbm>> -> memref<1x84x120xi32, #tpu.memory_space<hbm>>
      %dma_start3A_16 = tpu.memref_squeeze %dma_start3A_15 : memref<1x84x120xi32, #tpu.memory_space<hbm>> -> memref<84x120xi32, #tpu.memory_space<hbm>>
      tpu.enqueue_dma source(%dma_start3A_16 : memref<84x120xi32, #tpu.memory_space<hbm>>) target(%arg8 : memref<84x120xi32, #tpu.memory_space<vmem>>) target_semaphore(%run_scoped3A : memref<!tpu.dma_semaphore, #tpu.memory_space<semaphore_mem>>)
      %dma_wait3A = arith.constant 0 : i32
      %dma_wait3A_17 = arith.constant 0 : i32
      %dma_wait3A_18 = tpu.memref_slice %arg4[%add3A, %dma_wait3A, %dma_wait3A_17] : memref<32x84x120xi32, #tpu.memory_space<hbm>> -> memref<1x84x120xi32, #tpu.memory_space<hbm>>
      %dma_wait3A_19 = tpu.memref_squeeze %dma_wait3A_18 : memref<1x84x120xi32, #tpu.memory_space<hbm>> -> memref<84x120xi32, #tpu.memory_space<hbm>>
      %dma_wait3A_20 = arith.constant 0 : i32
      %dma_wait3A_21 = arith.constant 0 : i32
      %dma_wait3A_22 = tpu.memref_slice %arg4[%add3A, %dma_wait3A_20, %dma_wait3A_21] : memref<32x84x120xi32, #tpu.memory_space<hbm>> -> memref<1x84x120xi32, #tpu.memory_space<hbm>>
      %dma_wait3A_23 = tpu.memref_squeeze %dma_wait3A_22 : memref<1x84x120xi32, #tpu.memory_space<hbm>> -> memref<84x120xi32, #tpu.memory_space<hbm>>
      tpu.wait_dma2 semaphore(%run_scoped3A : memref<!tpu.dma_semaphore, #tpu.memory_space<semaphore_mem>>) src(%dma_wait3A_23 : memref<84x120xi32, #tpu.memory_space<hbm>>) dst(%arg8 : memref<84x120xi32, #tpu.memory_space<vmem>>)
      tpu.yield
    }) : () -> ()
    "tpu.region"() ({
      %run_scoped3A = tpu.sem_alloc : memref<!tpu.dma_semaphore, #tpu.memory_space<semaphore_mem>>
      %dma_start3A = arith.constant 0 : i32
      %dma_start3A_10 = tpu.memref_slice %arg11[%multiple_of3A, %dma_start3A] : memref<10112x128xf32, #tpu.memory_space<vmem_shared>> -> memref<632x128xf32, #tpu.memory_space<vmem_shared>>
      %dma_start3A_11 = arith.constant 0 : i32
      %dma_start3A_12 = tpu.memref_slice %arg5[%multiple_of3A, %dma_start3A_11] : memref<10112x128xf32, #tpu.memory_space<hbm>> -> memref<632x128xf32, #tpu.memory_space<hbm>>
      tpu.enqueue_dma source(%dma_start3A_12 : memref<632x128xf32, #tpu.memory_space<hbm>>) target(%dma_start3A_10 : memref<632x128xf32, #tpu.memory_space<vmem_shared>>) target_semaphore(%run_scoped3A : memref<!tpu.dma_semaphore, #tpu.memory_space<semaphore_mem>>)
      %dma_wait3A = arith.constant 0 : i32
      %dma_wait3A_13 = tpu.memref_slice %arg11[%multiple_of3A, %dma_wait3A] : memref<10112x128xf32, #tpu.memory_space<vmem_shared>> -> memref<632x128xf32, #tpu.memory_space<vmem_shared>>
      %dma_wait3A_14 = arith.constant 0 : i32
      %dma_wait3A_15 = tpu.memref_slice %arg5[%multiple_of3A, %dma_wait3A_14] : memref<10112x128xf32, #tpu.memory_space<hbm>> -> memref<632x128xf32, #tpu.memory_space<hbm>>
      tpu.wait_dma2 semaphore(%run_scoped3A : memref<!tpu.dma_semaphore, #tpu.memory_space<semaphore_mem>>) src(%dma_wait3A_15 : memref<632x128xf32, #tpu.memory_space<hbm>>) dst(%dma_wait3A_13 : memref<632x128xf32, #tpu.memory_space<vmem_shared>>)
      tpu.yield
    }) : () -> ()
    %barrier3A = arith.constant 0 : index
    tpu.barrier barrier_id(%barrier3A)
    %scan3A = arith.constant 0 : i32
    %scan3A_3 = arith.constant 0 : i32
    %scan3A_4 = arith.constant 84 : i32
    %scan3A_5 = arith.addi %scan3A_3, %scan3A_4 : i32
    %scan3A_6 = arith.constant 1 : i32
    %scan3A_7 = scf.for %scan3A_10 = %scan3A_3 to %scan3A_5 step %scan3A_6 iter_args(%scan3A_11 = %scan3A) -> (i32)  : i32 {
      %dma_start3A = arith.constant 0 : i32
      %dma_start3A_12 = tpu.memref_slice %arg7[%scan3A_10, %dma_start3A] : memref<84x120xi32, #tpu.memory_space<vmem>> -> memref<1x120xi32, #tpu.memory_space<vmem>>
      %dma_start3A_13 = tpu.memref_squeeze %dma_start3A_12 : memref<1x120xi32, #tpu.memory_space<vmem>> -> memref<120xi32, #tpu.memory_space<vmem>>
      %dma_start3A_14 = arith.constant 0 : i32
      %dma_start3A_15 = arith.constant 0 : i32
      %dma_start3A_16 = tpu.memref_slice %arg2[%dma_start3A_14, %dma_start3A_15] : memref<10000x128xf32, #tpu.memory_space<hbm>> -> memref<10000x128xf32, #tpu.memory_space<hbm>>
      tpu.enqueue_indirect_dma source(%dma_start3A_16 : memref<10000x128xf32, #tpu.memory_space<hbm>>) target(%arg9 : memref<120x128xf32, #tpu.memory_space<vmem>>) offsets(%dma_start3A_13 : memref<120xi32, #tpu.memory_space<vmem>>) semaphore(%arg12 : memref<!tpu.dma_semaphore, #tpu.memory_space<semaphore_mem>>)
      %dma_wait3A = arith.constant 0 : i32
      %dma_wait3A_17 = tpu.memref_slice %arg7[%scan3A_10, %dma_wait3A] : memref<84x120xi32, #tpu.memory_space<vmem>> -> memref<1x120xi32, #tpu.memory_space<vmem>>
      %dma_wait3A_18 = tpu.memref_squeeze %dma_wait3A_17 : memref<1x120xi32, #tpu.memory_space<vmem>> -> memref<120xi32, #tpu.memory_space<vmem>>
      %dma_wait3A_19 = arith.constant 0 : i32
      %dma_wait3A_20 = arith.constant 0 : i32
      %dma_wait3A_21 = tpu.memref_slice %arg2[%dma_wait3A_19, %dma_wait3A_20] : memref<10000x128xf32, #tpu.memory_space<hbm>> -> memref<10000x128xf32, #tpu.memory_space<hbm>>
      tpu.wait_indirect_dma semaphore(%arg12 : memref<!tpu.dma_semaphore, #tpu.memory_space<semaphore_mem>>) src(%dma_wait3A_21 : memref<10000x128xf32, #tpu.memory_space<hbm>>) dst(%arg9 : memref<120x128xf32, #tpu.memory_space<vmem>>)
      "tpu.region"() ({
        %run_scoped3A = tpu.sem_alloc : memref<!tpu.dma_semaphore, #tpu.memory_space<semaphore_mem>>
        %dma_start3A_23 = arith.constant 0 : i32
        %dma_start3A_24 = tpu.memref_slice %arg8[%scan3A_10, %dma_start3A_23] : memref<84x120xi32, #tpu.memory_space<vmem>> -> memref<1x120xi32, #tpu.memory_space<vmem>>
        %dma_start3A_25 = tpu.memref_squeeze %dma_start3A_24 : memref<1x120xi32, #tpu.memory_space<vmem>> -> memref<120xi32, #tpu.memory_space<vmem>>
        %dma_start3A_26 = arith.constant 0 : i32
        %dma_start3A_27 = arith.constant 0 : i32
        %dma_start3A_28 = tpu.memref_slice %arg11[%dma_start3A_26, %dma_start3A_27] : memref<10112x128xf32, #tpu.memory_space<vmem_shared>> -> memref<10112x128xf32, #tpu.memory_space<vmem_shared>>
        tpu.enqueue_indirect_dma source(%arg9 : memref<120x128xf32, #tpu.memory_space<vmem>>) target(%dma_start3A_28 : memref<10112x128xf32, #tpu.memory_space<vmem_shared>>) offsets(%dma_start3A_25 : memref<120xi32, #tpu.memory_space<vmem>>) semaphore(%run_scoped3A : memref<!tpu.dma_semaphore, #tpu.memory_space<semaphore_mem>>) {add = true}
        %dma_wait3A_29 = arith.constant 0 : i32
        %dma_wait3A_30 = tpu.memref_slice %arg8[%scan3A_10, %dma_wait3A_29] : memref<84x120xi32, #tpu.memory_space<vmem>> -> memref<1x120xi32, #tpu.memory_space<vmem>>
        %dma_wait3A_31 = tpu.memref_squeeze %dma_wait3A_30 : memref<1x120xi32, #tpu.memory_space<vmem>> -> memref<120xi32, #tpu.memory_space<vmem>>
        %dma_wait3A_32 = arith.constant 0 : i32
        %dma_wait3A_33 = arith.constant 0 : i32
        %dma_wait3A_34 = tpu.memref_slice %arg11[%dma_wait3A_32, %dma_wait3A_33] : memref<10112x128xf32, #tpu.memory_space<vmem_shared>> -> memref<10112x128xf32, #tpu.memory_space<vmem_shared>>
        tpu.wait_indirect_dma semaphore(%run_scoped3A : memref<!tpu.dma_semaphore, #tpu.memory_space<semaphore_mem>>) src(%arg9 : memref<120x128xf32, #tpu.memory_space<vmem>>) dst(%dma_wait3A_34 : memref<10112x128xf32, #tpu.memory_space<vmem_shared>>)
        tpu.yield
      }) : () -> ()
      %scan3A_22 = arith.constant 0 : i32
      scf.yield %scan3A_22 : i32
    }
    %scan3A_8 = arith.constant 84 : i32
    %barrier3A_9 = arith.constant 0 : index
    tpu.barrier barrier_id(%barrier3A_9)
    "tpu.region"() ({
      %run_scoped3A = tpu.sem_alloc : memref<!tpu.dma_semaphore, #tpu.memory_space<semaphore_mem>>
      %dma_start3A = arith.constant 0 : i32
      %dma_start3A_10 = tpu.memref_slice %arg6[%arg0, %multiple_of3A, %dma_start3A] : memref<2x10112x128xf32, #tpu.memory_space<hbm>> -> memref<1x632x128xf32, #tpu.memory_space<hbm>>
      %dma_start3A_11 = tpu.memref_squeeze %dma_start3A_10 : memref<1x632x128xf32, #tpu.memory_space<hbm>> -> memref<632x128xf32, #tpu.memory_space<hbm>>
      %dma_start3A_12 = arith.constant 0 : i32
      %dma_start3A_13 = tpu.memref_slice %arg11[%multiple_of3A, %dma_start3A_12] : memref<10112x128xf32, #tpu.memory_space<vmem_shared>> -> memref<632x128xf32, #tpu.memory_space<vmem_shared>>
      tpu.enqueue_dma source(%dma_start3A_13 : memref<632x128xf32, #tpu.memory_space<vmem_shared>>) target(%dma_start3A_11 : memref<632x128xf32, #tpu.memory_space<hbm>>) target_semaphore(%run_scoped3A : memref<!tpu.dma_semaphore, #tpu.memory_space<semaphore_mem>>)
      %dma_wait3A = arith.constant 0 : i32
      %dma_wait3A_14 = tpu.memref_slice %arg6[%arg0, %multiple_of3A, %dma_wait3A] : memref<2x10112x128xf32, #tpu.memory_space<hbm>> -> memref<1x632x128xf32, #tpu.memory_space<hbm>>
      %dma_wait3A_15 = tpu.memref_squeeze %dma_wait3A_14 : memref<1x632x128xf32, #tpu.memory_space<hbm>> -> memref<632x128xf32, #tpu.memory_space<hbm>>
      %dma_wait3A_16 = arith.constant 0 : i32
      %dma_wait3A_17 = tpu.memref_slice %arg11[%multiple_of3A, %dma_wait3A_16] : memref<10112x128xf32, #tpu.memory_space<vmem_shared>> -> memref<632x128xf32, #tpu.memory_space<vmem_shared>>
      tpu.wait_dma2 semaphore(%run_scoped3A : memref<!tpu.dma_semaphore, #tpu.memory_space<semaphore_mem>>) src(%dma_wait3A_17 : memref<632x128xf32, #tpu.memory_space<vmem_shared>>) dst(%dma_wait3A_15 : memref<632x128xf32, #tpu.memory_space<hbm>>)
      tpu.yield
    }) : () -> ()
    return
  }
}

#map = affine_map<(d0, d1) -> (0, 0)>
#map1 = affine_map<(d0, d1) -> (0, 0, 0)>
module attributes {stable_mosaic.version = 14 : i64} {
  func.func @sage_seg_sum(%arg0: i32, %arg1: i32, %arg2: memref<10000x128xf32, #tpu.memory_space<hbm>>, %arg3: memref<32x84x120xi32, #tpu.memory_space<hbm>>, %arg4: memref<32x84x120xi32, #tpu.memory_space<hbm>>, %arg5: memref<10112x128xf32, #tpu.memory_space<hbm>>, %arg6: memref<2x10112x128xf32, #tpu.memory_space<hbm>>, %arg7: memref<84x120xi32, #tpu.memory_space<vmem>>, %arg8: memref<84x120xi32, #tpu.memory_space<vmem>>, %arg9: memref<120x128xf32, #tpu.memory_space<vmem>>, %arg10: memref<120x128xf32, #tpu.memory_space<vmem>>, %arg11: memref<10112x128xf32, #tpu.memory_space<vmem_shared>>, %arg12: memref<!tpu.dma_semaphore, #tpu.memory_space<semaphore_mem>>, %arg13: memref<!tpu.dma_semaphore, #tpu.memory_space<semaphore_mem>>) attributes {dimension_semantics = [#tpu.dimension_semantics<core_parallel>, #tpu.dimension_semantics<subcore_parallel>], iteration_bounds = array<i64: 2, 16>, scalar_prefetch = 0 : i64, scratch_operands = 7 : i64, tpu.core_type = #tpu.core_type<sc_vector_subcore>, window_params = [{transform_indices = #map}, {transform_indices = #map1}, {transform_indices = #map1}, {transform_indices = #map}, {transform_indices = #map1}]} {
    %mul3A = arith.constant 16 : i32
    %mul3A_0 = arith.muli %arg0, %mul3A : i32
    %add3A = arith.addi %mul3A_0, %arg1 : i32
    %mul3A_1 = arith.constant 632 : i32
    %mul3A_2 = arith.muli %arg1, %mul3A_1 : i32
    %multiple_of3A = tpu.assume_multiple %mul3A_2, 8 : i32
    "tpu.region"() ({
      %run_scoped3A = tpu.sem_alloc : memref<!tpu.dma_semaphore, #tpu.memory_space<semaphore_mem>>
      %dma_start3A = arith.constant 0 : i32
      %dma_start3A_10 = arith.constant 0 : i32
      %dma_start3A_11 = tpu.memref_slice %arg3[%add3A, %dma_start3A, %dma_start3A_10] : memref<32x84x120xi32, #tpu.memory_space<hbm>> -> memref<1x84x120xi32, #tpu.memory_space<hbm>>
      %dma_start3A_12 = tpu.memref_squeeze %dma_start3A_11 : memref<1x84x120xi32, #tpu.memory_space<hbm>> -> memref<84x120xi32, #tpu.memory_space<hbm>>
      %dma_start3A_13 = arith.constant 0 : i32
      %dma_start3A_14 = arith.constant 0 : i32
      %dma_start3A_15 = tpu.memref_slice %arg3[%add3A, %dma_start3A_13, %dma_start3A_14] : memref<32x84x120xi32, #tpu.memory_space<hbm>> -> memref<1x84x120xi32, #tpu.memory_space<hbm>>
      %dma_start3A_16 = tpu.memref_squeeze %dma_start3A_15 : memref<1x84x120xi32, #tpu.memory_space<hbm>> -> memref<84x120xi32, #tpu.memory_space<hbm>>
      tpu.enqueue_dma source(%dma_start3A_16 : memref<84x120xi32, #tpu.memory_space<hbm>>) target(%arg7 : memref<84x120xi32, #tpu.memory_space<vmem>>) target_semaphore(%run_scoped3A : memref<!tpu.dma_semaphore, #tpu.memory_space<semaphore_mem>>)
      %dma_wait3A = arith.constant 0 : i32
      %dma_wait3A_17 = arith.constant 0 : i32
      %dma_wait3A_18 = tpu.memref_slice %arg3[%add3A, %dma_wait3A, %dma_wait3A_17] : memref<32x84x120xi32, #tpu.memory_space<hbm>> -> memref<1x84x120xi32, #tpu.memory_space<hbm>>
      %dma_wait3A_19 = tpu.memref_squeeze %dma_wait3A_18 : memref<1x84x120xi32, #tpu.memory_space<hbm>> -> memref<84x120xi32, #tpu.memory_space<hbm>>
      %dma_wait3A_20 = arith.constant 0 : i32
      %dma_wait3A_21 = arith.constant 0 : i32
      %dma_wait3A_22 = tpu.memref_slice %arg3[%add3A, %dma_wait3A_20, %dma_wait3A_21] : memref<32x84x120xi32, #tpu.memory_space<hbm>> -> memref<1x84x120xi32, #tpu.memory_space<hbm>>
      %dma_wait3A_23 = tpu.memref_squeeze %dma_wait3A_22 : memref<1x84x120xi32, #tpu.memory_space<hbm>> -> memref<84x120xi32, #tpu.memory_space<hbm>>
      tpu.wait_dma2 semaphore(%run_scoped3A : memref<!tpu.dma_semaphore, #tpu.memory_space<semaphore_mem>>) src(%dma_wait3A_23 : memref<84x120xi32, #tpu.memory_space<hbm>>) dst(%arg7 : memref<84x120xi32, #tpu.memory_space<vmem>>)
      tpu.yield
    }) : () -> ()
    "tpu.region"() ({
      %run_scoped3A = tpu.sem_alloc : memref<!tpu.dma_semaphore, #tpu.memory_space<semaphore_mem>>
      %dma_start3A = arith.constant 0 : i32
      %dma_start3A_10 = arith.constant 0 : i32
      %dma_start3A_11 = tpu.memref_slice %arg4[%add3A, %dma_start3A, %dma_start3A_10] : memref<32x84x120xi32, #tpu.memory_space<hbm>> -> memref<1x84x120xi32, #tpu.memory_space<hbm>>
      %dma_start3A_12 = tpu.memref_squeeze %dma_start3A_11 : memref<1x84x120xi32, #tpu.memory_space<hbm>> -> memref<84x120xi32, #tpu.memory_space<hbm>>
      %dma_start3A_13 = arith.constant 0 : i32
      %dma_start3A_14 = arith.constant 0 : i32
      %dma_start3A_15 = tpu.memref_slice %arg4[%add3A, %dma_start3A_13, %dma_start3A_14] : memref<32x84x120xi32, #tpu.memory_space<hbm>> -> memref<1x84x120xi32, #tpu.memory_space<hbm>>
      %dma_start3A_16 = tpu.memref_squeeze %dma_start3A_15 : memref<1x84x120xi32, #tpu.memory_space<hbm>> -> memref<84x120xi32, #tpu.memory_space<hbm>>
      tpu.enqueue_dma source(%dma_start3A_16 : memref<84x120xi32, #tpu.memory_space<hbm>>) target(%arg8 : memref<84x120xi32, #tpu.memory_space<vmem>>) target_semaphore(%run_scoped3A : memref<!tpu.dma_semaphore, #tpu.memory_space<semaphore_mem>>)
      %dma_wait3A = arith.constant 0 : i32
      %dma_wait3A_17 = arith.constant 0 : i32
      %dma_wait3A_18 = tpu.memref_slice %arg4[%add3A, %dma_wait3A, %dma_wait3A_17] : memref<32x84x120xi32, #tpu.memory_space<hbm>> -> memref<1x84x120xi32, #tpu.memory_space<hbm>>
      %dma_wait3A_19 = tpu.memref_squeeze %dma_wait3A_18 : memref<1x84x120xi32, #tpu.memory_space<hbm>> -> memref<84x120xi32, #tpu.memory_space<hbm>>
      %dma_wait3A_20 = arith.constant 0 : i32
      %dma_wait3A_21 = arith.constant 0 : i32
      %dma_wait3A_22 = tpu.memref_slice %arg4[%add3A, %dma_wait3A_20, %dma_wait3A_21] : memref<32x84x120xi32, #tpu.memory_space<hbm>> -> memref<1x84x120xi32, #tpu.memory_space<hbm>>
      %dma_wait3A_23 = tpu.memref_squeeze %dma_wait3A_22 : memref<1x84x120xi32, #tpu.memory_space<hbm>> -> memref<84x120xi32, #tpu.memory_space<hbm>>
      tpu.wait_dma2 semaphore(%run_scoped3A : memref<!tpu.dma_semaphore, #tpu.memory_space<semaphore_mem>>) src(%dma_wait3A_23 : memref<84x120xi32, #tpu.memory_space<hbm>>) dst(%arg8 : memref<84x120xi32, #tpu.memory_space<vmem>>)
      tpu.yield
    }) : () -> ()
    "tpu.region"() ({
      %run_scoped3A = tpu.sem_alloc : memref<!tpu.dma_semaphore, #tpu.memory_space<semaphore_mem>>
      %dma_start3A = arith.constant 0 : i32
      %dma_start3A_10 = tpu.memref_slice %arg11[%multiple_of3A, %dma_start3A] : memref<10112x128xf32, #tpu.memory_space<vmem_shared>> -> memref<632x128xf32, #tpu.memory_space<vmem_shared>>
      %dma_start3A_11 = arith.constant 0 : i32
      %dma_start3A_12 = tpu.memref_slice %arg5[%multiple_of3A, %dma_start3A_11] : memref<10112x128xf32, #tpu.memory_space<hbm>> -> memref<632x128xf32, #tpu.memory_space<hbm>>
      tpu.enqueue_dma source(%dma_start3A_12 : memref<632x128xf32, #tpu.memory_space<hbm>>) target(%dma_start3A_10 : memref<632x128xf32, #tpu.memory_space<vmem_shared>>) target_semaphore(%run_scoped3A : memref<!tpu.dma_semaphore, #tpu.memory_space<semaphore_mem>>)
      %dma_wait3A = arith.constant 0 : i32
      %dma_wait3A_13 = tpu.memref_slice %arg11[%multiple_of3A, %dma_wait3A] : memref<10112x128xf32, #tpu.memory_space<vmem_shared>> -> memref<632x128xf32, #tpu.memory_space<vmem_shared>>
      %dma_wait3A_14 = arith.constant 0 : i32
      %dma_wait3A_15 = tpu.memref_slice %arg5[%multiple_of3A, %dma_wait3A_14] : memref<10112x128xf32, #tpu.memory_space<hbm>> -> memref<632x128xf32, #tpu.memory_space<hbm>>
      tpu.wait_dma2 semaphore(%run_scoped3A : memref<!tpu.dma_semaphore, #tpu.memory_space<semaphore_mem>>) src(%dma_wait3A_15 : memref<632x128xf32, #tpu.memory_space<hbm>>) dst(%dma_wait3A_13 : memref<632x128xf32, #tpu.memory_space<vmem_shared>>)
      tpu.yield
    }) : () -> ()
    %barrier3A = arith.constant 0 : index
    tpu.barrier barrier_id(%barrier3A)
    %scan3A = arith.constant 0 : i32
    %scan3A_3 = arith.constant 0 : i32
    %scan3A_4 = arith.constant 84 : i32
    %scan3A_5 = arith.addi %scan3A_3, %scan3A_4 : i32
    %scan3A_6 = arith.constant 1 : i32
    %scan3A_7 = scf.for %scan3A_10 = %scan3A_3 to %scan3A_5 step %scan3A_6 iter_args(%scan3A_11 = %scan3A) -> (i32)  : i32 {
      %dma_start3A = arith.constant 0 : i32
      %dma_start3A_12 = tpu.memref_slice %arg7[%scan3A_10, %dma_start3A] : memref<84x120xi32, #tpu.memory_space<vmem>> -> memref<1x120xi32, #tpu.memory_space<vmem>>
      %dma_start3A_13 = tpu.memref_squeeze %dma_start3A_12 : memref<1x120xi32, #tpu.memory_space<vmem>> -> memref<120xi32, #tpu.memory_space<vmem>>
      %dma_start3A_14 = arith.constant 0 : i32
      %dma_start3A_15 = arith.constant 0 : i32
      %dma_start3A_16 = tpu.memref_slice %arg2[%dma_start3A_14, %dma_start3A_15] : memref<10000x128xf32, #tpu.memory_space<hbm>> -> memref<10000x128xf32, #tpu.memory_space<hbm>>
      tpu.enqueue_indirect_dma source(%dma_start3A_16 : memref<10000x128xf32, #tpu.memory_space<hbm>>) target(%arg9 : memref<120x128xf32, #tpu.memory_space<vmem>>) offsets(%dma_start3A_13 : memref<120xi32, #tpu.memory_space<vmem>>) semaphore(%arg12 : memref<!tpu.dma_semaphore, #tpu.memory_space<semaphore_mem>>)
      %dma_wait3A = arith.constant 0 : i32
      %dma_wait3A_17 = tpu.memref_slice %arg7[%scan3A_10, %dma_wait3A] : memref<84x120xi32, #tpu.memory_space<vmem>> -> memref<1x120xi32, #tpu.memory_space<vmem>>
      %dma_wait3A_18 = tpu.memref_squeeze %dma_wait3A_17 : memref<1x120xi32, #tpu.memory_space<vmem>> -> memref<120xi32, #tpu.memory_space<vmem>>
      %dma_wait3A_19 = arith.constant 0 : i32
      %dma_wait3A_20 = arith.constant 0 : i32
      %dma_wait3A_21 = tpu.memref_slice %arg2[%dma_wait3A_19, %dma_wait3A_20] : memref<10000x128xf32, #tpu.memory_space<hbm>> -> memref<10000x128xf32, #tpu.memory_space<hbm>>
      tpu.wait_indirect_dma semaphore(%arg12 : memref<!tpu.dma_semaphore, #tpu.memory_space<semaphore_mem>>) src(%dma_wait3A_21 : memref<10000x128xf32, #tpu.memory_space<hbm>>) dst(%arg9 : memref<120x128xf32, #tpu.memory_space<vmem>>)
      "tpu.region"() ({
        %run_scoped3A = tpu.sem_alloc : memref<!tpu.dma_semaphore, #tpu.memory_space<semaphore_mem>>
        %dma_start3A_23 = arith.constant 0 : i32
        %dma_start3A_24 = tpu.memref_slice %arg8[%scan3A_10, %dma_start3A_23] : memref<84x120xi32, #tpu.memory_space<vmem>> -> memref<1x120xi32, #tpu.memory_space<vmem>>
        %dma_start3A_25 = tpu.memref_squeeze %dma_start3A_24 : memref<1x120xi32, #tpu.memory_space<vmem>> -> memref<120xi32, #tpu.memory_space<vmem>>
        %dma_start3A_26 = arith.constant 0 : i32
        %dma_start3A_27 = arith.constant 0 : i32
        %dma_start3A_28 = tpu.memref_slice %arg11[%dma_start3A_26, %dma_start3A_27] : memref<10112x128xf32, #tpu.memory_space<vmem_shared>> -> memref<10112x128xf32, #tpu.memory_space<vmem_shared>>
        tpu.enqueue_indirect_dma source(%arg9 : memref<120x128xf32, #tpu.memory_space<vmem>>) target(%dma_start3A_28 : memref<10112x128xf32, #tpu.memory_space<vmem_shared>>) offsets(%dma_start3A_25 : memref<120xi32, #tpu.memory_space<vmem>>) semaphore(%run_scoped3A : memref<!tpu.dma_semaphore, #tpu.memory_space<semaphore_mem>>) {add = true}
        %dma_wait3A_29 = arith.constant 0 : i32
        %dma_wait3A_30 = tpu.memref_slice %arg8[%scan3A_10, %dma_wait3A_29] : memref<84x120xi32, #tpu.memory_space<vmem>> -> memref<1x120xi32, #tpu.memory_space<vmem>>
        %dma_wait3A_31 = tpu.memref_squeeze %dma_wait3A_30 : memref<1x120xi32, #tpu.memory_space<vmem>> -> memref<120xi32, #tpu.memory_space<vmem>>
        %dma_wait3A_32 = arith.constant 0 : i32
        %dma_wait3A_33 = arith.constant 0 : i32
        %dma_wait3A_34 = tpu.memref_slice %arg11[%dma_wait3A_32, %dma_wait3A_33] : memref<10112x128xf32, #tpu.memory_space<vmem_shared>> -> memref<10112x128xf32, #tpu.memory_space<vmem_shared>>
        tpu.wait_indirect_dma semaphore(%run_scoped3A : memref<!tpu.dma_semaphore, #tpu.memory_space<semaphore_mem>>) src(%arg9 : memref<120x128xf32, #tpu.memory_space<vmem>>) dst(%dma_wait3A_34 : memref<10112x128xf32, #tpu.memory_space<vmem_shared>>)
        tpu.yield
      }) : () -> ()
      %scan3A_22 = arith.constant 0 : i32
      scf.yield %scan3A_22 : i32
    }
    %scan3A_8 = arith.constant 84 : i32
    %barrier3A_9 = arith.constant 0 : index
    tpu.barrier barrier_id(%barrier3A_9)
    "tpu.region"() ({
      %run_scoped3A = tpu.sem_alloc : memref<!tpu.dma_semaphore, #tpu.memory_space<semaphore_mem>>
      %dma_start3A = arith.constant 0 : i32
      %dma_start3A_10 = tpu.memref_slice %arg6[%arg0, %multiple_of3A, %dma_start3A] : memref<2x10112x128xf32, #tpu.memory_space<hbm>> -> memref<1x632x128xf32, #tpu.memory_space<hbm>>
      %dma_start3A_11 = tpu.memref_squeeze %dma_start3A_10 : memref<1x632x128xf32, #tpu.memory_space<hbm>> -> memref<632x128xf32, #tpu.memory_space<hbm>>
      %dma_start3A_12 = arith.constant 0 : i32
      %dma_start3A_13 = tpu.memref_slice %arg11[%multiple_of3A, %dma_start3A_12] : memref<10112x128xf32, #tpu.memory_space<vmem_shared>> -> memref<632x128xf32, #tpu.memory_space<vmem_shared>>
      tpu.enqueue_dma source(%dma_start3A_13 : memref<632x128xf32, #tpu.memory_space<vmem_shared>>) target(%dma_start3A_11 : memref<632x128xf32, #tpu.memory_space<hbm>>) target_semaphore(%run_scoped3A : memref<!tpu.dma_semaphore, #tpu.memory_space<semaphore_mem>>)
      %dma_wait3A = arith.constant 0 : i32
      %dma_wait3A_14 = tpu.memref_slice %arg6[%arg0, %multiple_of3A, %dma_wait3A] : memref<2x10112x128xf32, #tpu.memory_space<hbm>> -> memref<1x632x128xf32, #tpu.memory_space<hbm>>
      %dma_wait3A_15 = tpu.memref_squeeze %dma_wait3A_14 : memref<1x632x128xf32, #tpu.memory_space<hbm>> -> memref<632x128xf32, #tpu.memory_space<hbm>>
      %dma_wait3A_16 = arith.constant 0 : i32
      %dma_wait3A_17 = tpu.memref_slice %arg11[%multiple_of3A, %dma_wait3A_16] : memref<10112x128xf32, #tpu.memory_space<vmem_shared>> -> memref<632x128xf32, #tpu.memory_space<vmem_shared>>
      tpu.wait_dma2 semaphore(%run_scoped3A : memref<!tpu.dma_semaphore, #tpu.memory_space<semaphore_mem>>) src(%dma_wait3A_17 : memref<632x128xf32, #tpu.memory_space<vmem_shared>>) dst(%dma_wait3A_15 : memref<632x128xf32, #tpu.memory_space<hbm>>)
      tpu.yield
    }) : () -> ()
    return
  }
}

module attributes {stable_mosaic.version = 14 : i64} {
  func.func @_scale_body(%arg0: memref<2x10112x128xf32, #tpu.memory_space<vmem>>, %arg1: memref<10000x1xf32, #tpu.memory_space<vmem>>) attributes {dimension_semantics = [], scalar_prefetch = 0 : i64, scratch_operands = 0 : i64, tpu.core_type = #tpu.core_type<tc>} {
    %get3A = arith.constant 0 : index
    %get3A_0 = arith.constant 0 : index
    %get3A_1 = arith.constant 0 : index
    %get3A_2 = vector.load %arg0[%get3A, %get3A_0, %get3A_1] : memref<2x10112x128xf32, #tpu.memory_space<vmem>>, vector<1x10000x1xf32>
    %get3A_3 = vector.shape_cast %get3A_2 : vector<1x10000x1xf32> to vector<10000x1xf32>
    %get3A_4 = arith.constant 1 : index
    %get3A_5 = arith.constant 0 : index
    %get3A_6 = arith.constant 0 : index
    %get3A_7 = vector.load %arg0[%get3A_4, %get3A_5, %get3A_6] : memref<2x10112x128xf32, #tpu.memory_space<vmem>>, vector<1x10000x1xf32>
    %get3A_8 = vector.shape_cast %get3A_7 : vector<1x10000x1xf32> to vector<10000x1xf32>
    %add3A = arith.addf %get3A_3, %get3A_8 : vector<10000x1xf32>
    %max3A = arith.constant 1.000000e+00 : f32
    %max3A_9 = vector.broadcast %max3A : f32 to vector<10000x1xf32>
    %max3A_10 = arith.maximumf %add3A, %max3A_9 : vector<10000x1xf32>
    %div3A = arith.constant 1.000000e+00 : f32
    %div3A_11 = vector.broadcast %div3A : f32 to vector<10000x1xf32>
    %div3A_12 = arith.divf %div3A_11, %max3A_10 : vector<10000x1xf32>
    %swap3A = arith.constant 0 : index
    %swap3A_13 = arith.constant 0 : index
    %swap3A_14 = vector.load %arg1[%swap3A, %swap3A_13] : memref<10000x1xf32, #tpu.memory_space<vmem>>, vector<10000x1xf32>
    tpu.vector_store %arg1[%swap3A, %swap3A_13], %div3A_12 {strides = array<i32>} : memref<10000x1xf32, #tpu.memory_space<vmem>>, vector<10000x1xf32>,
    return
  }
}

module attributes {stable_mosaic.version = 14 : i64} {
  func.func @_dense_body(%arg0: memref<2x10112x128xf32, #tpu.memory_space<vmem>>, %arg1: memref<10000x1xf32, #tpu.memory_space<vmem>>, %arg2: memref<10000x128xf32, #tpu.memory_space<vmem>>, %arg3: memref<128x128xf32, #tpu.memory_space<vmem>>, %arg4: memref<128x128xf32, #tpu.memory_space<vmem>>, %arg5: memref<128xf32, #tpu.memory_space<vmem>>, %arg6: memref<128xf32, #tpu.memory_space<vmem>>, %arg7: memref<128xf32, #tpu.memory_space<vmem>>, %arg8: memref<10000x128xf32, #tpu.memory_space<vmem>>) attributes {dimension_semantics = [], scalar_prefetch = 0 : i64, scratch_operands = 0 : i64, tpu.core_type = #tpu.core_type<tc>} {
    %get3A = arith.constant 0 : index
    %get3A_0 = arith.constant 0 : index
    %get3A_1 = arith.constant 0 : index
    %get3A_2 = vector.load %arg0[%get3A, %get3A_0, %get3A_1] : memref<2x10112x128xf32, #tpu.memory_space<vmem>>, vector<1x10000x128xf32>
    %get3A_3 = vector.shape_cast %get3A_2 : vector<1x10000x128xf32> to vector<10000x128xf32>
    %get3A_4 = arith.constant 1 : index
    %get3A_5 = arith.constant 0 : index
    %get3A_6 = arith.constant 0 : index
    %get3A_7 = vector.load %arg0[%get3A_4, %get3A_5, %get3A_6] : memref<2x10112x128xf32, #tpu.memory_space<vmem>>, vector<1x10000x128xf32>
    %get3A_8 = vector.shape_cast %get3A_7 : vector<1x10000x128xf32> to vector<10000x128xf32>
    %add3A = arith.addf %get3A_3, %get3A_8 : vector<10000x128xf32>
    %get3A_9 = arith.constant 0 : index
    %get3A_10 = arith.constant 0 : index
    %get3A_11 = vector.load %arg1[%get3A_9, %get3A_10] : memref<10000x1xf32, #tpu.memory_space<vmem>>, vector<10000x1xf32>
    %mul3A = vector.broadcast %get3A_11 : vector<10000x1xf32> to vector<10000x128xf32>
    %mul3A_12 = arith.mulf %add3A, %mul3A : vector<10000x128xf32>
    %get3A_13 = arith.constant 0 : index
    %get3A_14 = arith.constant 0 : index
    %get3A_15 = vector.load %arg3[%get3A_13, %get3A_14] : memref<128x128xf32, #tpu.memory_space<vmem>>, vector<128x128xf32>
    %dot_general3A = arith.constant dense<0.000000e+00> : vector<10000x128xf32>
    %dot_general3A_16 = tpu.matmul %mul3A_12, %get3A_15, %dot_general3A {dimension_numbers = #tpu.dot_dimension_numbers<[1], [0], [0], [1], [0, 0, 1, 1], [], []>, transpose_lhs_hint = false} : vector<10000x128xf32>, vector<128x128xf32>, vector<10000x128xf32> -> vector<10000x128xf32>
    %get3A_17 = arith.constant 0 : index
    %get3A_18 = arith.constant 0 : index
    %get3A_19 = vector.load %arg2[%get3A_17, %get3A_18] : memref<10000x128xf32, #tpu.memory_space<vmem>>, vector<10000x128xf32>
    %get3A_20 = arith.constant 0 : index
    %get3A_21 = arith.constant 0 : index
    %get3A_22 = vector.load %arg4[%get3A_20, %get3A_21] : memref<128x128xf32, #tpu.memory_space<vmem>>, vector<128x128xf32>
    %dot_general3A_23 = arith.constant dense<0.000000e+00> : vector<10000x128xf32>
    %dot_general3A_24 = tpu.matmul %get3A_19, %get3A_22, %dot_general3A_23 {dimension_numbers = #tpu.dot_dimension_numbers<[1], [0], [0], [1], [0, 0, 1, 1], [], []>, transpose_lhs_hint = false} : vector<10000x128xf32>, vector<128x128xf32>, vector<10000x128xf32> -> vector<10000x128xf32>
    %add3A_25 = arith.addf %dot_general3A_16, %dot_general3A_24 : vector<10000x128xf32>
    %get3A_26 = arith.constant 0 : index
    %get3A_27 = vector.load %arg5[%get3A_26] : memref<128xf32, #tpu.memory_space<vmem>>, vector<128xf32>
    %broadcast_in_dim3A = vector.shape_cast %get3A_27 : vector<128xf32> to vector<1x128xf32>
    %add3A_28 = vector.broadcast %broadcast_in_dim3A : vector<1x128xf32> to vector<10000x128xf32>
    %add3A_29 = arith.addf %add3A_25, %add3A_28 : vector<10000x128xf32>
    %reduce_sum3A = arith.constant dense<0.000000e+00> : vector<128xf32>
    %reduce_sum3A_30 = vector.multi_reduction <add>, %add3A_29, %reduce_sum3A [0] : vector<10000x128xf32> to vector<128xf32>
    %div3A = arith.constant 1.000000e+04 : f32
    %div3A_31 = vector.broadcast %div3A : f32 to vector<128xf32>
    %div3A_32 = arith.divf %reduce_sum3A_30, %div3A_31 : vector<128xf32>
    %broadcast_in_dim3A_33 = vector.shape_cast %div3A_32 : vector<128xf32> to vector<1x128xf32>
    %sub3A = vector.broadcast %broadcast_in_dim3A_33 : vector<1x128xf32> to vector<10000x128xf32>
    %sub3A_34 = arith.subf %add3A_29, %sub3A : vector<10000x128xf32>
    %integer_pow3A = arith.mulf %sub3A_34, %sub3A_34 : vector<10000x128xf32>
    %reduce_sum3A_35 = arith.constant dense<0.000000e+00> : vector<128xf32>
    %reduce_sum3A_36 = vector.multi_reduction <add>, %integer_pow3A, %reduce_sum3A_35 [0] : vector<10000x128xf32> to vector<128xf32>
    %div3A_37 = arith.constant 1.000000e+04 : f32
    %div3A_38 = vector.broadcast %div3A_37 : f32 to vector<128xf32>
    %div3A_39 = arith.divf %reduce_sum3A_36, %div3A_38 : vector<128xf32>
    %add3A_40 = arith.constant 9.99999974E-6 : f32
    %add3A_41 = vector.broadcast %add3A_40 : f32 to vector<128xf32>
    %add3A_42 = arith.addf %div3A_39, %add3A_41 : vector<128xf32>
    %rsqrt3A = math.rsqrt %add3A_42 : vector<128xf32>
    %get3A_43 = arith.constant 0 : index
    %get3A_44 = vector.load %arg6[%get3A_43] : memref<128xf32, #tpu.memory_space<vmem>>, vector<128xf32>
    %mul3A_45 = arith.mulf %rsqrt3A, %get3A_44 : vector<128xf32>
    %broadcast_in_dim3A_46 = vector.shape_cast %div3A_32 : vector<128xf32> to vector<1x128xf32>
    %sub3A_47 = vector.broadcast %broadcast_in_dim3A_46 : vector<1x128xf32> to vector<10000x128xf32>
    %sub3A_48 = arith.subf %add3A_29, %sub3A_47 : vector<10000x128xf32>
    %broadcast_in_dim3A_49 = vector.shape_cast %mul3A_45 : vector<128xf32> to vector<1x128xf32>
    %mul3A_50 = vector.broadcast %broadcast_in_dim3A_49 : vector<1x128xf32> to vector<10000x128xf32>
    %mul3A_51 = arith.mulf %sub3A_48, %mul3A_50 : vector<10000x128xf32>
    %get3A_52 = arith.constant 0 : index
    %get3A_53 = vector.load %arg7[%get3A_52] : memref<128xf32, #tpu.memory_space<vmem>>, vector<128xf32>
    %broadcast_in_dim3A_54 = vector.shape_cast %get3A_53 : vector<128xf32> to vector<1x128xf32>
    %add3A_55 = vector.broadcast %broadcast_in_dim3A_54 : vector<1x128xf32> to vector<10000x128xf32>
    %add3A_56 = arith.addf %mul3A_51, %add3A_55 : vector<10000x128xf32>
    %max3A = arith.constant 0.000000e+00 : f32
    %max3A_57 = vector.broadcast %max3A : f32 to vector<10000x128xf32>
    %max3A_58 = arith.maximumf %add3A_56, %max3A_57 : vector<10000x128xf32>
    %swap3A = arith.constant 0 : index
    %swap3A_59 = arith.constant 0 : index
    %swap3A_60 = vector.load %arg8[%swap3A, %swap3A_59] : memref<10000x128xf32, #tpu.memory_space<vmem>>, vector<10000x128xf32>
    tpu.vector_store %arg8[%swap3A, %swap3A_59], %max3A_58 {strides = array<i32>} : memref<10000x128xf32, #tpu.memory_space<vmem>>, vector<10000x128xf32>,
    return
  }
}

module attributes {stable_mosaic.version = 14 : i64} {
  func.func @_final_body(%arg0: memref<2x10112x128xf32, #tpu.memory_space<vmem>>, %arg1: memref<10000x1xf32, #tpu.memory_space<vmem>>, %arg2: memref<10000x128xf32, #tpu.memory_space<vmem>>, %arg3: memref<128x64xf32, #tpu.memory_space<vmem>>, %arg4: memref<128x64xf32, #tpu.memory_space<vmem>>, %arg5: memref<64xf32, #tpu.memory_space<vmem>>, %arg6: memref<10000x64xf32, #tpu.memory_space<vmem>>) attributes {dimension_semantics = [], scalar_prefetch = 0 : i64, scratch_operands = 0 : i64, tpu.core_type = #tpu.core_type<tc>} {
    %get3A = arith.constant 0 : index
    %get3A_0 = arith.constant 0 : index
    %get3A_1 = arith.constant 0 : index
    %get3A_2 = vector.load %arg0[%get3A, %get3A_0, %get3A_1] : memref<2x10112x128xf32, #tpu.memory_space<vmem>>, vector<1x10000x128xf32>
    %get3A_3 = vector.shape_cast %get3A_2 : vector<1x10000x128xf32> to vector<10000x128xf32>
    %get3A_4 = arith.constant 1 : index
    %get3A_5 = arith.constant 0 : index
    %get3A_6 = arith.constant 0 : index
    %get3A_7 = vector.load %arg0[%get3A_4, %get3A_5, %get3A_6] : memref<2x10112x128xf32, #tpu.memory_space<vmem>>, vector<1x10000x128xf32>
    %get3A_8 = vector.shape_cast %get3A_7 : vector<1x10000x128xf32> to vector<10000x128xf32>
    %add3A = arith.addf %get3A_3, %get3A_8 : vector<10000x128xf32>
    %get3A_9 = arith.constant 0 : index
    %get3A_10 = arith.constant 0 : index
    %get3A_11 = vector.load %arg1[%get3A_9, %get3A_10] : memref<10000x1xf32, #tpu.memory_space<vmem>>, vector<10000x1xf32>
    %mul3A = vector.broadcast %get3A_11 : vector<10000x1xf32> to vector<10000x128xf32>
    %mul3A_12 = arith.mulf %add3A, %mul3A : vector<10000x128xf32>
    %get3A_13 = arith.constant 0 : index
    %get3A_14 = arith.constant 0 : index
    %get3A_15 = vector.load %arg3[%get3A_13, %get3A_14] : memref<128x64xf32, #tpu.memory_space<vmem>>, vector<128x64xf32>
    %dot_general3A = arith.constant dense<0.000000e+00> : vector<10000x64xf32>
    %dot_general3A_16 = tpu.matmul %mul3A_12, %get3A_15, %dot_general3A {dimension_numbers = #tpu.dot_dimension_numbers<[1], [0], [0], [1], [0, 0, 1, 1], [], []>, transpose_lhs_hint = false} : vector<10000x128xf32>, vector<128x64xf32>, vector<10000x64xf32> -> vector<10000x64xf32>
    %get3A_17 = arith.constant 0 : index
    %get3A_18 = arith.constant 0 : index
    %get3A_19 = vector.load %arg2[%get3A_17, %get3A_18] : memref<10000x128xf32, #tpu.memory_space<vmem>>, vector<10000x128xf32>
    %get3A_20 = arith.constant 0 : index
    %get3A_21 = arith.constant 0 : index
    %get3A_22 = vector.load %arg4[%get3A_20, %get3A_21] : memref<128x64xf32, #tpu.memory_space<vmem>>, vector<128x64xf32>
    %dot_general3A_23 = arith.constant dense<0.000000e+00> : vector<10000x64xf32>
    %dot_general3A_24 = tpu.matmul %get3A_19, %get3A_22, %dot_general3A_23 {dimension_numbers = #tpu.dot_dimension_numbers<[1], [0], [0], [1], [0, 0, 1, 1], [], []>, transpose_lhs_hint = false} : vector<10000x128xf32>, vector<128x64xf32>, vector<10000x64xf32> -> vector<10000x64xf32>
    %add3A_25 = arith.addf %dot_general3A_16, %dot_general3A_24 : vector<10000x64xf32>
    %get3A_26 = arith.constant 0 : index
    %get3A_27 = vector.load %arg5[%get3A_26] : memref<64xf32, #tpu.memory_space<vmem>>, vector<64xf32>
    %broadcast_in_dim3A = vector.shape_cast %get3A_27 : vector<64xf32> to vector<1x64xf32>
    %add3A_28 = vector.broadcast %broadcast_in_dim3A : vector<1x64xf32> to vector<10000x64xf32>
    %add3A_29 = arith.addf %add3A_25, %add3A_28 : vector<10000x64xf32>
    %reduce_max3A = arith.constant dense<0xFF800000> : vector<10000xf32>
    %reduce_max3A_30 = vector.multi_reduction <maximumf>, %add3A_29, %reduce_max3A [1] : vector<10000x64xf32> to vector<10000xf32>
    %broadcast_in_dim3A_31 = vector.shape_cast %reduce_max3A_30 : vector<10000xf32> to vector<10000x1xf32>
    %sub3A = vector.broadcast %broadcast_in_dim3A_31 : vector<10000x1xf32> to vector<10000x64xf32>
    %sub3A_32 = arith.subf %add3A_29, %sub3A : vector<10000x64xf32>
    %exp3A = math.exp %sub3A_32 : vector<10000x64xf32>
    %reduce_sum3A = arith.constant dense<0.000000e+00> : vector<10000xf32>
    %reduce_sum3A_33 = vector.multi_reduction <add>, %exp3A, %reduce_sum3A [1] : vector<10000x64xf32> to vector<10000xf32>
    %broadcast_in_dim3A_34 = vector.shape_cast %reduce_sum3A_33 : vector<10000xf32> to vector<10000x1xf32>
    %log3A = math.log %broadcast_in_dim3A_34 : vector<10000x1xf32>
    %sub3A_35 = vector.broadcast %broadcast_in_dim3A_31 : vector<10000x1xf32> to vector<10000x64xf32>
    %sub3A_36 = arith.subf %add3A_29, %sub3A_35 : vector<10000x64xf32>
    %sub3A_37 = vector.broadcast %log3A : vector<10000x1xf32> to vector<10000x64xf32>
    %sub3A_38 = arith.subf %sub3A_36, %sub3A_37 : vector<10000x64xf32>
    %swap3A = arith.constant 0 : index
    %swap3A_39 = arith.constant 0 : index
    %swap3A_40 = vector.load %arg6[%swap3A, %swap3A_39] : memref<10000x64xf32, #tpu.memory_space<vmem>>, vector<10000x64xf32>
    tpu.vector_store %arg6[%swap3A, %swap3A_39], %sub3A_38 {strides = array<i32>} : memref<10000x64xf32, #tpu.memory_space<vmem>>, vector<10000x64xf32>,
    return
  }
}

</mosaic_0001>

<sc_bundles>
// kernel: sage_deg.3.cloned.1.call-start
scs
__scs_entry_jumppad:
0x0: {  	(pc) =	sbr.rel $0x88, $3  }
0x1: {  	(tag) =	ssettag $0x0;
	lr =	simm.s32 $0x1  }
0x2: {  	[smem:$0x3F92] =	sst lr;
	_ =	strace $0xD0000000  }
0x3: {  	_ = 	snop  }
0x4: {  	_ = 	snop  }
0x5: {  	_ = 	snop  }
0x6: {  	_ = 	snop  }
0x7: {  	_ = 	snop  }
__scs_overlays_trampoline_lowered:
0x8: {  	[smem:$0x3FA1] =	sst s0  }
0x9: {  	[smem:$0x3FA2] =	sst s1  }
0xa: {  	[smem:$0x3FA3] =	sst s2  }
0xb: {  	[smem:$0x3FA4] =	sst s3  }
0xc: {  	[smem:$0x3FA5] =	sst s4  }
0xd: {  	[smem:$0x3FA6] =	sst s5  }
0xe: {  	[smem:$0x3FA7] =	sst s6  }
0xf: {  	[smem:$0x3FA8] =	sst s7  }
0x10: {  	[smem:$0x3FA9] =	sst s8  }
0x11: {  	[smem:$0x3FAA] =	sst s9;
	s0 =	simm.s32 @!p0 $0x0  }
0x12: {  	s1 =	sld [smem:$0x3F90];
	s0 =	simm.s32 @p0 $0x1  }
0x13: {  	[smem:$0x3FAB] =	sst s0;
	s0 =	simm.s32 @!p1 $0x0  }
0x14: {  	s2 =	sld [smem:$0x3F8F];
	s0 =	simm.s32 @p1 $0x1  }
0x15: {  	[smem:$0x3FAC] =	sst s0;
	s0 =	simm.s32 @!p2 $0x0  }
0x16: {  	s3 =	sld [smem:$0x3FDB];
	s0 =	simm.s32 @p2 $0x1  }
0x17: {  	s4 =	simm.s32 $0x1BF5;
	[smem:$0x3FAE] =	sst s0  }
0x18: {  	s0 =	sld [smem:$0x3F91];
	_ =	swait.ge [sflag:s4], $0x0  }
0x19: {  	s7 =	sld [smem:$0x3F92]  }
0x1a: {  	s8 =	sadd.s32 $0xFFFFE003, lr  }
0x1b: {  	s9 =	sadd.s32 $0xFFFFFEF7, lr;
	s5 =	simm.s32 $0xFFFFFFFF;
	p2 =	slt.u32 s8, $0xFFFFF086  }
0x1c: {  	p1 =	slt.u32 s9, $0xF7A;
	s5 =	simm.s32 @!p2 $0x0  }
0x1d: {  	s5 =	simm.s32 @p1 $0x1;
	p0 =	seq.s32 s7, s2  }
0x1e: {  	s7 =	smul.u32 @!p0 $0xF7A, s2;
	p2 =	seq.s32 @!p0 s5, $0x0  }
0x1f: {  	s9 =	smul.u32 $0xF7A, s1;
	s8 =	simm.s32 @!p0 $0x1BF5;
	p2 =	por !p2, p0  }
0x20: {  	[sflag:s8] =	ssyncset.s32 @!p0 $0xFFFFF086;
	s6 =	sadd.s32 @!p0 s3, s7;
	s7 =	simm.s32 @!p0 $0x108  }
0x21: {  	s3 =	sadd.s32 s3, s9;
	s6 =	sadd.s32 @!p0 $0x88, s6;
	s7 =	simm.s32 @p2 $0x1082  }
0x22: {  	[simem:s7], [sflag:s8] =	dma.local @!p0 [hbm:s6], $0xF7A  }
0x23: {  	s9 =	sor.u32 $0xD0000000, s2;
	s6 =	simm.s32 $0x108;
	_ =	swait.ge @!p0 [sflag:s8], $0x0  }
0x24: {  	s3 =	sadd.s32 $0x88, s3;
	s6 =	simm.s32 @!p1 $0x1082;
	[sflag:s4] =	ssyncset.s32 $0xFFFFF086  }
0x25: {  	[simem:s6], [sflag:s4] =	dma.local [hbm:s3], $0xF7A  }
0x26: {  	[smem:$0x3F92] =	sst s1;
	(tag) =	ssettag s2;
	_ =	strace s9  }
0x27: {  	s1 =	sld [smem:$0x3FA2]  }
0x28: {  	s2 =	sld [smem:$0x3FA3]  }
0x29: {  	s4 =	sld [smem:$0x3FA5]  }
0x2a: {  	p0 =	seq.s32 s5, $0x0;
	s5 =	sld [smem:$0x3FA6]  }
0x2b: {  	s6 =	sld [smem:$0x3FA7]  }
0x2c: {  	s7 =	sld [smem:$0x3FA8]  }
0x2d: {  	s3 =	simm.s32 $0x108;
	s8 =	sld [smem:$0x3FA9]  }
0x2e: {  	s3 =	simm.s32 @!p0 $0x1082;
	s9 =	sld [smem:$0x3FAA]  }
0x2f: {  	lr =	sadd.s32 s0, s3;
	s0 =	sld [smem:$0x3FA1]  }
0x30: {  	s3 =	sld [smem:$0x3FA4]  }
0x31: {  	[smem:$0x3FAD] =	sst s10  }
0x32: {  	s10 =	sld [smem:$0x3FAB];
	_ =	sdelay $0x3  }
0x33: {  	p0 =	seq.s32 s10, $0x1;
	s10 =	sld [smem:$0x3FAD];
	_ =	sdelay $0x3  }
0x34: {  	[smem:$0x3FAD] =	sst s10  }
0x35: {  	s10 =	sld [smem:$0x3FAC];
	_ =	sdelay $0x3  }
0x36: {  	p1 =	seq.s32 s10, $0x1;
	s10 =	sld [smem:$0x3FAD];
	_ =	sdelay $0x3  }
0x37: {  	[smem:$0x3FAD] =	sst s10  }
0x38: {  	s10 =	sld [smem:$0x3FAE]  }
0x39: {  	_ = 	snop;
	(pc) =	sbr.ind lr, $3  }
0x3a: {  	_ = 	snop  }
0x3b: {  	_ = 	snop  }
0x3c: {  	p2 =	seq.s32 s10, $0x1;
	s10 =	sld [smem:$0x3FAD]  }
0x3d: {  	_ =	shalt  }
0x3e: {  	_ =	shalt  }
0x3f: {  	_ =	shalt  }
0x40: {  	_ =	shalt  }
0x41: {  	_ =	shalt  }
0x42: {  	_ =	shalt  }
0x43: {  	_ =	shalt  }
0x44: {  	_ =	shalt  }
0x45: {  	_ =	shalt  }
0x46: {  	_ =	shalt  }
0x47: {  	_ =	shalt  }
0x48: {  	_ =	shalt  }
0x49: {  	_ =	shalt  }
0x4a: {  	_ =	shalt  }
0x4b: {  	_ =	shalt  }
0x4c: {  	_ =	shalt  }
0x4d: {  	_ =	shalt  }
0x4e: {  	_ =	shalt  }
0x4f: {  	_ =	shalt  }
0x50: {  	_ =	shalt  }
0x51: {  	_ =	shalt  }
0x52: {  	_ =	shalt  }
0x53: {  	_ =	shalt  }
0x54: {  	_ =	shalt  }
0x55: {  	_ =	shalt  }
0x56: {  	_ =	shalt  }
0x57: {  	_ =	shalt  }
0x58: {  	_ =	shalt  }
0x59: {  	_ =	shalt  }
0x5a: {  	_ =	shalt  }
0x5b: {  	_ =	shalt  }
0x5c: {  	_ =	shalt  }
0x5d: {  	_ =	shalt  }
0x5e: {  	_ =	shalt  }
0x5f: {  	_ =	shalt  }
0x60: {  	_ =	shalt  }
0x61: {  	_ =	shalt  }
0x62: {  	_ =	shalt  }
0x63: {  	_ =	shalt  }
0x64: {  	_ =	shalt  }
0x65: {  	_ =	shalt  }
0x66: {  	_ =	shalt  }
0x67: {  	_ =	shalt  }
0x68: {  	_ =	shalt  }
0x69: {  	_ =	shalt  }
0x6a: {  	_ =	shalt  }
0x6b: {  	_ =	shalt  }
0x6c: {  	_ =	shalt  }
0x6d: {  	_ =	shalt  }
0x6e: {  	_ =	shalt  }
0x6f: {  	_ =	shalt  }
0x70: {  	_ =	shalt  }
0x71: {  	_ =	shalt  }
0x72: {  	_ =	shalt  }
0x73: {  	_ =	shalt  }
0x74: {  	_ =	shalt  }
0x75: {  	_ =	shalt  }
0x76: {  	_ =	shalt  }
0x77: {  	_ =	shalt  }
0x78: {  	_ =	shalt  }
0x79: {  	_ =	shalt  }
0x7a: {  	_ =	shalt  }
0x7b: {  	_ =	shalt  }
0x7c: {  	_ =	shalt  }
0x7d: {  	_ =	shalt  }
0x7e: {  	_ =	shalt  }
0x7f: {  	_ =	shalt  }
0x80: {  	_ =	shalt  }
0x81: {  	_ =	shalt  }
0x82: {  	_ =	shalt  }
0x83: {  	_ =	shalt  }
0x84: {  	_ =	shalt  }
0x85: {  	_ =	shalt  }
0x86: {  	_ =	shalt  }
0x87: {  	_ =	shalt  }
.Lfunc_end0:
.L_simem_size_0:
called_computation_lowered:
.L_overlay_start_0:
0x88: {  	s2 =	sld [smem:$0x3FD9]  }
0x89: {  	s3 =	sld [smem:$0x3FFE];
	_ =	sdelay $0x1  }
0x8a: {  	s1 =	srdreg.scid  }
0x8b: {  	s0 =	sand.u32 $0x1, s1  }
0x8c: {  	s16 =	sshll.u32 s0, $0xA;
	s2 =	sadd.s32 s3, s2  }
0x8d: {  	s2 =	sadd.s32 s2, s16  }
0x8e: {  	[smem:$0x3FB9] =	sst s2  }
0x8f: {  	_ = 	snop  }
0x90: {  	(tm) =	ssettm $0x1  }
0x91: {  	s17 =	sld [smem:$0x3FFB];
	_ =	sdelay $0x3  }
0x92: {  	_ =	strace s17  }
0x93: {  	s2 =	sld [smem:$0x3FFC];
	_ =	sdelay $0x3  }
0x94: {  	_ =	strace s2  }
0x95: {  	s2 =	sld [smem:$0x3FFD];
	_ =	sdelay $0x3  }
0x96: {  	_ =	strace s2  }
0x97: {  	_ =	strace $0x8FFFFFFF  }
0x98: {  	s18 =	sld [smem:$0x3FDB];
	_ =	sdelay $0x1  }
0x99: {  	s19 =	simm.s32 $_scs_section_size  }
0x9a: {  	s4 =	simm.s32 $_size__tile_overlayer_lowered;
	s5 =	simm.s32 $_tile_overlayer_lowered  }
0x9b: {  	s22 =	simm.s32 $0x1BFF;
	s21 =	sshll.u32 s5, $0x1;
	s2 =	sadd.s32 s19, s18  }
0x9c: {  	s6 =	simm.s32 $0x0;
	s20 =	sshll.u32 s4, $0x1;
	s4 =	sadd.s32 s21, s2  }
0x9d: {  	[timem:s6], [sflag:s22] =	dma.local [hbm:s4], s20  }
0x9e: {  	_ =	swait.ge [sflag:s22], s20  }
0x9f: {  	s3 =	ssub.s32 $0x0, s20;
	[sflag:s22] =	ssyncset.done $0x0  }
0xa0: {  	[sflag:s22] =	ssyncadd.s32 s3;
	_ =	sdelay $0x1  }
0xa1: {  	s23 =	simm.s32 $0x1B8B  }
0xa2: {  	_ =	swait.ge [sflag:s23], $0x1  }
0xa3: {  	[sflag:s23] =	ssyncset.done $0x0  }
0xa4: {  	s25 =	simm.s32 $0x1B8E;
	s24 =	sld [smem:$0x3FFE];
	[sflag:s23] =	ssyncadd.s32 $0xFFFFFFFF  }
0xa5: {  	s26 =	simm.s32 $execute0_lowered;
	[smem:$0x3FD2] =	sst s25  }
0xa6: {  	s4 =	sshll.u32 s26, $0x1;
	_ =	strace $0x80000046;
	[dreg:$0x1] =	wrdreg $0xFFFFFFFF  }
0xa7: {  	s28 =	simm.s32 $_size_execute0_lowered;
	s2 =	sadd.s32 s2, s4;
	[dreg:$0x0] =	wrdreg $0x0  }
0xa8: {  	s4 =	sshll.u32 s28, $0x1;
	[dreg:$0x2] =	wrdreg s2  }
0xa9: {  	[dreg:$0x3] =	wrdreg s4  }
0xaa: {  	[dreg:$0x4] =	wrdreg $0xC0  }
0xab: {  	_ =	task [dreg:s6], $0x5FFFF  }
0xac: {  	[dreg:$0x1] =	wrdreg $0xFFFFFFFF  }
0xad: {  	[dreg:$0x0] =	wrdreg $0x60  }
0xae: {  	[dreg:$0x2] =	wrdreg s24  }
0xaf: {  	[dreg:$0x3] =	wrdreg $0x68000  }
0xb0: {  	[dreg:$0x4] =	wrdreg $0x9  }
0xb1: {  	_ =	task.clear_ibuf [dreg:s6], $0x5FFFF;
	_ =	strace $0x90000046  }
0xb2: {  	s29 =	simm.s32 $0x9;
	_ =	strace $0x80000048  }
0xb3: {  	_ =	swait.ge [sflag:s29], $0x1  }
0xb4: {  	[sflag:s29] =	ssyncadd.s32 $0xFFFFFFFF  }
0xb5: {  	_ =	strace $0x90000048  }
0xb6: {  	_ =	sfence  }
0xb7: {  	s30 =	sld [smem:$0x0];
	_ =	sdelay $0x2  }
0xb8: {  	s31 =	sshll.u32 s1, $0xD;
	s1 =	sshrl.u32 s1, $0x2  }
0xb9: {  	s3 =	sand.u32 $0x4000, s31;
	s1 =	sadd.s32 s1, s30  }
0xba: {  	s0 =	sor.u32 s3, s0;
	s1 =	sshll.u32 s1, $0x11  }
0xbb: {  	s0 =	sor.u32 s1, s0  }
0xbc: {  	s0 =	sadd.s32 $0x8F2B, s0  }
0xbd: {  	[sflag:s0] =	ssyncadd.remote.s32 $0x1  }
0xbe: {  	_ =	sfence.sel $0xFFFF  }
0xbf: {  	[dreg:$0x0] =	wrdreg $0xFFFFFFFF;
	(pc) =	sbr.abs _section_cstart, $3  }
0xc0: {  	[dreg:$0x1] =	wrdreg $0xFFFFFFFF  }
0xc1: {  	_ =	task.clear_ibuf [dreg:s6], $0x2FFFF;
	_ =	strace $0x9FFFFFFF  }
0xc2: {  	(tm) =	ssettm $0x7FFFFFFF  }
0xc3: {  	_ =	shalt  }
tec
execute0_lowered:
.L_overlay_start_1:
0x0: {  	(tag) =	ssettag $0x1  }
0x1: {  	s0 =	srdreg.scid;
	s5 =	rddreg [dreg:$0x0]  }
0x2: {  	s2 =	rddreg [dreg:$0x1];
	s4 =	sand.u32 $0x1, s0;
	s0 =	stileid.u32  }
0x3: {  	s3 =	simm.s32 $0x0;
	s14 =	simm.s32 $0x0;
	s7 =	smul.u32 $0x13C00, s0  }
0x4: {  	[smem:$0x7FF] =	sst s3;
	s1 =	sshll.u32 s4, $0x4;
	s9 =	smul.u32 $0x13C000, s4  }
0x5: {  	s28 =	ssub.s32 $0x2, s4;
	s29 =	smul.u32 $0x4F000, s0;
	s4 =	sadd.s32 $0x35C00, s5  }
0x6: {  	s31 =	sshll.u32 s0, $0x6;
	s6 =	sor.u32 s0, s1;
	s1 =	rddreg [dreg:$0x2]  }
0x7: {  	_ =	strace $0x80000047;
	s11 =	sshrl.u32 s28, $0x1;
	s6 =	smul.u32 $0x580, s6  }
0x8: {  	s8 =	sshrl.u32 s7, $0x3;
	s7 =	sadd.s32 s7, s9;
	s11 =	ssub.s32 s28, s11  }
0x9: {  	s30 =	sshrl.u32 s29, $0x2;
	s26 =	sadd.s32 s8, s5;
	s7 =	sshrl.u32 s7, $0x3  }
0xa: {  	s13 =	sadd.s32 s30, s2;
	s9 =	smax.u32 s11, $0x1;
	s11 =	simm.s32 $0x1  }
0xb: {  	s10 =	sadd.s32 s6, s5;
	s12 =	sadd.s32 s7, s5;
	s5 =	sadd.s32 $0xE400, s26  }
0xc: {  	s6 =	sor.u32 $0x1C01, s31;
	s7 =	sadd.s32 $0x3400, s10;
	s8 =	sadd.s32 $0x36400, s12  }
0xd: {  	s10 =	sshrl.u32 s13, $0x3;
	s12 =	simm.s32 $0x2C00;
	s13 =	simm.s32 $0x78  }
.LBB2_1:
0xe: {  	[spmem:s10], [sflag:s6] =	dma.local [hbm:s5], $0x2780  }
0xf: {  	_ =	swait.ge [sflag:s11], $0x2780  }
0x10: {  	[sflag:s11] =	ssyncset.done $0x0  }
0x11: {  	[sflag:s11] =	ssyncadd.s32 $0xFFFFD880  }
0x12: {  	[tilespmem:s12], [sflag:$0x1] =	stream.linear.gather [hbm4b:s4+s3], $0x3C00, $0x38;
	[tilespmem:$0x1A400] =	vst v63  }
0x13: {  	_ =	swait.ge [sflag:s11], $0x3C00  }
0x14: {  	[sflag:s11] =	ssyncset.done $0x0  }
0x15: {  	[sflag:s11] =	ssyncadd.s32 $0xFFFFC400  }
0x16: {  	[tilespmem:s3], [sflag:$0x1] =	stream.linear.gather [hbm4b:s7+s3], $0x2A00, $0x38;
	[tilespmem:$0x1A400] =	vst v63  }
0x17: {  	_ =	swait.ge [sflag:s11], $0x2A00  }
0x18: {  	[sflag:s11] =	ssyncset.done $0x0  }
0x19: {  	[sflag:s11] =	ssyncadd.s32 $0xFFFFD600  }
0x1a: {  	s15 =	simm.s32 $0x0;
	[bflag:$0x0] =	sbarrier.arrive $0xFFFF  }
0x1b: {  	[spmem:s2] =	stream.indirect.scatter.add.f32 [tilespmem:s12], [sflag:$0x1], $0x80, s15, s13, $0xb8;
	[tilespmem:$0x1A400] =	vst v63  }
0x1c: {  	_ =	swait.ge [sflag:s11], $0x3C00  }
0x1d: {  	s15 =	simm.s32 $0x200;
	[sflag:s11] =	ssyncset.done $0x0  }
.LBB2_2:
0x1e: {  	s16 =	sshra.s32 s15, $0x2;
	[sflag:s11] =	ssyncadd.s32 $0xFFFFC400;
	p0 =	sne.s32 s15, $0xA600  }
0x1f: {  	[spmem:s2] =	stream.indirect.scatter.add.f32 [tilespmem:s12], [sflag:$0x1], $0x80, s16, s13, $0xb8;
	[tilespmem:$0x1A400] =	vst v63  }
.Ltmp0:
0x20: {  	_ = 	snop;
	(pc) =	sbr.rel @p0 .LBB2_2-.Ltmp0, $4  }
0x21: {  	_ = 	snop  }
0x22: {  	s15 =	sadd.s32 $0x200, s15  }
0x23: {  	_ =	swait.ge [sflag:s11], $0x3C00  }
0x24: {  	[sflag:s11] =	ssyncset.done $0x0  }
0x25: {  	s14 =	sadd.s32 $0x1, s14  }
0x26: {  	[sflag:s11] =	ssyncadd.s32 $0xFFFFC400;
	p0 =	sne.s32 s14, s9  }
.Ltmp1:
0x27: {  	[bflag:$0x0] =	sbarrier.arrive $0xFFFF;
	(pc) =	sbr.rel @p0 .LBB2_1-.Ltmp1, $4  }
0x28: {  	[hbm:s8], [sflag:s6] =	dma.local [spmem:s10], $0x2780  }
0x29: {  	_ =	swait.ge [sflag:s11], $0x2780  }
0x2a: {  	[sflag:s11] =	ssyncset.done $0x0  }
0x2b: {  	[sflag:s11] =	ssyncadd.s32 $0xFFFFD880  }
0x2c: {  	_ =	sfence.sel $0x180000  }
0x2d: {  	[bflag:$0x0] =	sbarrier.arrive $0xFFFF  }
0x2e: {  	p0 =	sne.s32 s0, $0x0;
	_ =	strace $0x90000047  }
0x2f: {  	s0 =	sadd.s32 @!p0 $0x100000, s1;
	[bflag:$0x2] =	sbarrier.arrive $0xFFFF  }
0x30: {  	[sflag:s0] =	ssyncadd.tile.s32 @!p0 $0x1;
	_ =	shalt  }
.Lfunc_end2:
_tile_overlayer_lowered:
.L_overlay_start_2:
0x31: {  	(tag) =	ssettag $0x2  }
0x32: {  	s0 =	rddreg [dreg:$0x0];
	s2 =	stileid.u32  }
0x33: {  	s1 =	rddreg [dreg:$0x1];
	p0 =	sne.s32 s2, $0x0  }
0x34: {  	s3 =	rddreg [dreg:$0x2];
	[bflag:$0x3] =	sbarrier.arrive $0xFFFF;
	s2 =	simm.s32 @!p0 $0x1C01  }
0x35: {  	[timem:s3], [sflag:s2] =	dma.local @!p0 [hbm:s0], s1  }
0x36: {  	s0 =	simm.s32 @!p0 $0x1  }
0x37: {  	_ =	swait.ge @!p0 [sflag:s0], s1  }
0x38: {  	s1 =	ssub.s32 @!p0 $0x0, s1;
	[sflag:s0] =	ssyncset.done @!p0 $0x0  }
0x39: {  	[sflag:s0] =	ssyncadd.s32 @!p0 s1  }
0x3a: {  	[bflag:$0x3] =	sbarrier.arrive $0xFFFF  }
0x3b: {  	_ =	shalt  }

// kernel: sage_seg_sum.11.cloned.1.call-start
scs
__scs_entry_jumppad:
0x0: {  	(pc) =	sbr.rel $0x88, $3  }
0x1: {  	(tag) =	ssettag $0x0;
	lr =	simm.s32 $0x1  }
0x2: {  	[smem:$0x3F92] =	sst lr;
	_ =	strace $0xD0000000  }
0x3: {  	_ = 	snop  }
0x4: {  	_ = 	snop  }
0x5: {  	_ = 	snop  }
0x6: {  	_ = 	snop  }
0x7: {  	_ = 	snop  }
__scs_overlays_trampoline_lowered:
0x8: {  	[smem:$0x3FA1] =	sst s0  }
0x9: {  	[smem:$0x3FA2] =	sst s1  }
0xa: {  	[smem:$0x3FA3] =	sst s2  }
0xb: {  	[smem:$0x3FA4] =	sst s3  }
0xc: {  	[smem:$0x3FA5] =	sst s4  }
0xd: {  	[smem:$0x3FA6] =	sst s5  }
0xe: {  	[smem:$0x3FA7] =	sst s6  }
0xf: {  	[smem:$0x3FA8] =	sst s7  }
0x10: {  	[smem:$0x3FA9] =	sst s8  }
0x11: {  	[smem:$0x3FAA] =	sst s9;
	s0 =	simm.s32 @!p0 $0x0  }
0x12: {  	s1 =	sld [smem:$0x3F90];
	s0 =	simm.s32 @p0 $0x1  }
0x13: {  	[smem:$0x3FAB] =	sst s0;
	s0 =	simm.s32 @!p1 $0x0  }
0x14: {  	s2 =	sld [smem:$0x3F8F];
	s0 =	simm.s32 @p1 $0x1  }
0x15: {  	[smem:$0x3FAC] =	sst s0;
	s0 =	simm.s32 @!p2 $0x0  }
0x16: {  	s3 =	sld [smem:$0x3FDB];
	s0 =	simm.s32 @p2 $0x1  }
0x17: {  	s4 =	simm.s32 $0x1BF5;
	[smem:$0x3FAE] =	sst s0  }
0x18: {  	s0 =	sld [smem:$0x3F91];
	_ =	swait.ge [sflag:s4], $0x0  }
0x19: {  	s7 =	sld [smem:$0x3F92]  }
0x1a: {  	s8 =	sadd.s32 $0xFFFFE003, lr  }
0x1b: {  	s9 =	sadd.s32 $0xFFFFFEF7, lr;
	s5 =	simm.s32 $0xFFFFFFFF;
	p2 =	slt.u32 s8, $0xFFFFF086  }
0x1c: {  	p1 =	slt.u32 s9, $0xF7A;
	s5 =	simm.s32 @!p2 $0x0  }
0x1d: {  	s5 =	simm.s32 @p1 $0x1;
	p0 =	seq.s32 s7, s2  }
0x1e: {  	s7 =	smul.u32 @!p0 $0xF7A, s2;
	p2 =	seq.s32 @!p0 s5, $0x0  }
0x1f: {  	s9 =	smul.u32 $0xF7A, s1;
	s8 =	simm.s32 @!p0 $0x1BF5;
	p2 =	por !p2, p0  }
0x20: {  	[sflag:s8] =	ssyncset.s32 @!p0 $0xFFFFF086;
	s6 =	sadd.s32 @!p0 s3, s7;
	s7 =	simm.s32 @!p0 $0x108  }
0x21: {  	s3 =	sadd.s32 s3, s9;
	s6 =	sadd.s32 @!p0 $0x88, s6;
	s7 =	simm.s32 @p2 $0x1082  }
0x22: {  	[simem:s7], [sflag:s8] =	dma.local @!p0 [hbm:s6], $0xF7A  }
0x23: {  	s9 =	sor.u32 $0xD0000000, s2;
	s6 =	simm.s32 $0x108;
	_ =	swait.ge @!p0 [sflag:s8], $0x0  }
0x24: {  	s3 =	sadd.s32 $0x88, s3;
	s6 =	simm.s32 @!p1 $0x1082;
	[sflag:s4] =	ssyncset.s32 $0xFFFFF086  }
0x25: {  	[simem:s6], [sflag:s4] =	dma.local [hbm:s3], $0xF7A  }
0x26: {  	[smem:$0x3F92] =	sst s1;
	(tag) =	ssettag s2;
	_ =	strace s9  }
0x27: {  	s1 =	sld [smem:$0x3FA2]  }
0x28: {  	s2 =	sld [smem:$0x3FA3]  }
0x29: {  	s4 =	sld [smem:$0x3FA5]  }
0x2a: {  	p0 =	seq.s32 s5, $0x0;
	s5 =	sld [smem:$0x3FA6]  }
0x2b: {  	s6 =	sld [smem:$0x3FA7]  }
0x2c: {  	s7 =	sld [smem:$0x3FA8]  }
0x2d: {  	s3 =	simm.s32 $0x108;
	s8 =	sld [smem:$0x3FA9]  }
0x2e: {  	s3 =	simm.s32 @!p0 $0x1082;
	s9 =	sld [smem:$0x3FAA]  }
0x2f: {  	lr =	sadd.s32 s0, s3;
	s0 =	sld [smem:$0x3FA1]  }
0x30: {  	s3 =	sld [smem:$0x3FA4]  }
0x31: {  	[smem:$0x3FAD] =	sst s10  }
0x32: {  	s10 =	sld [smem:$0x3FAB];
	_ =	sdelay $0x3  }
0x33: {  	p0 =	seq.s32 s10, $0x1;
	s10 =	sld [smem:$0x3FAD];
	_ =	sdelay $0x3  }
0x34: {  	[smem:$0x3FAD] =	sst s10  }
0x35: {  	s10 =	sld [smem:$0x3FAC];
	_ =	sdelay $0x3  }
0x36: {  	p1 =	seq.s32 s10, $0x1;
	s10 =	sld [smem:$0x3FAD];
	_ =	sdelay $0x3  }
0x37: {  	[smem:$0x3FAD] =	sst s10  }
0x38: {  	s10 =	sld [smem:$0x3FAE]  }
0x39: {  	_ = 	snop;
	(pc) =	sbr.ind lr, $3  }
0x3a: {  	_ = 	snop  }
0x3b: {  	_ = 	snop  }
0x3c: {  	p2 =	seq.s32 s10, $0x1;
	s10 =	sld [smem:$0x3FAD]  }
0x3d: {  	_ =	shalt  }
0x3e: {  	_ =	shalt  }
0x3f: {  	_ =	shalt  }
0x40: {  	_ =	shalt  }
0x41: {  	_ =	shalt  }
0x42: {  	_ =	shalt  }
0x43: {  	_ =	shalt  }
0x44: {  	_ =	shalt  }
0x45: {  	_ =	shalt  }
0x46: {  	_ =	shalt  }
0x47: {  	_ =	shalt  }
0x48: {  	_ =	shalt  }
0x49: {  	_ =	shalt  }
0x4a: {  	_ =	shalt  }
0x4b: {  	_ =	shalt  }
0x4c: {  	_ =	shalt  }
0x4d: {  	_ =	shalt  }
0x4e: {  	_ =	shalt  }
0x4f: {  	_ =	shalt  }
0x50: {  	_ =	shalt  }
0x51: {  	_ =	shalt  }
0x52: {  	_ =	shalt  }
0x53: {  	_ =	shalt  }
0x54: {  	_ =	shalt  }
0x55: {  	_ =	shalt  }
0x56: {  	_ =	shalt  }
0x57: {  	_ =	shalt  }
0x58: {  	_ =	shalt  }
0x59: {  	_ =	shalt  }
0x5a: {  	_ =	shalt  }
0x5b: {  	_ =	shalt  }
0x5c: {  	_ =	shalt  }
0x5d: {  	_ =	shalt  }
0x5e: {  	_ =	shalt  }
0x5f: {  	_ =	shalt  }
0x60: {  	_ =	shalt  }
0x61: {  	_ =	shalt  }
0x62: {  	_ =	shalt  }
0x63: {  	_ =	shalt  }
0x64: {  	_ =	shalt  }
0x65: {  	_ =	shalt  }
0x66: {  	_ =	shalt  }
0x67: {  	_ =	shalt  }
0x68: {  	_ =	shalt  }
0x69: {  	_ =	shalt  }
0x6a: {  	_ =	shalt  }
0x6b: {  	_ =	shalt  }
0x6c: {  	_ =	shalt  }
0x6d: {  	_ =	shalt  }
0x6e: {  	_ =	shalt  }
0x6f: {  	_ =	shalt  }
0x70: {  	_ =	shalt  }
0x71: {  	_ =	shalt  }
0x72: {  	_ =	shalt  }
0x73: {  	_ =	shalt  }
0x74: {  	_ =	shalt  }
0x75: {  	_ =	shalt  }
0x76: {  	_ =	shalt  }
0x77: {  	_ =	shalt  }
0x78: {  	_ =	shalt  }
0x79: {  	_ =	shalt  }
0x7a: {  	_ =	shalt  }
0x7b: {  	_ =	shalt  }
0x7c: {  	_ =	shalt  }
0x7d: {  	_ =	shalt  }
0x7e: {  	_ =	shalt  }
0x7f: {  	_ =	shalt  }
0x80: {  	_ =	shalt  }
0x81: {  	_ =	shalt  }
0x82: {  	_ =	shalt  }
0x83: {  	_ =	shalt  }
0x84: {  	_ =	shalt  }
0x85: {  	_ =	shalt  }
0x86: {  	_ =	shalt  }
0x87: {  	_ =	shalt  }
.Lfunc_end0:
.L_simem_size_0:
called_computation.3_lowered:
.L_overlay_start_0:
0x88: {  	s2 =	sld [smem:$0x3FD9]  }
0x89: {  	s3 =	sld [smem:$0x3FFE];
	_ =	sdelay $0x1  }
0x8a: {  	s1 =	srdreg.scid  }
0x8b: {  	s0 =	sand.u32 $0x1, s1  }
0x8c: {  	s17 =	sshll.u32 s0, $0xA;
	s2 =	sadd.s32 s3, s2  }
0x8d: {  	s2 =	sadd.s32 s2, s17  }
0x8e: {  	[smem:$0x3FB9] =	sst s2  }
0x8f: {  	_ = 	snop  }
0x90: {  	s2 =	sld [smem:$0x3FD0];
	(tm) =	ssettm $0x1  }
0x91: {  	s18 =	sld [smem:$0x3FFB];
	_ =	sdelay $0x3  }
0x92: {  	_ =	strace s18  }
0x93: {  	s3 =	sld [smem:$0x3FFC];
	_ =	sdelay $0x3  }
0x94: {  	_ =	strace s3  }
0x95: {  	s3 =	sld [smem:$0x3FFD];
	_ =	sdelay $0x3  }
0x96: {  	_ =	strace s3  }
0x97: {  	_ =	strace $0x8FFFFFFF  }
0x98: {  	s19 =	sld [smem:$0x3FDB];
	_ =	sdelay $0x1  }
0x99: {  	s4 =	simm.s32 $_scs_section_size  }
0x9a: {  	s5 =	simm.s32 $_size__tile_overlayer_lowered;
	s6 =	simm.s32 $_tile_overlayer_lowered  }
0x9b: {  	s22 =	simm.s32 $0x1BFF;
	s21 =	sshll.u32 s6, $0x1;
	s3 =	sadd.s32 s4, s19  }
0x9c: {  	s7 =	simm.s32 $0x0;
	s20 =	sshll.u32 s5, $0x1;
	s5 =	sadd.s32 s21, s3  }
0x9d: {  	[timem:s7], [sflag:s22] =	dma.local [hbm:s5], s20  }
0x9e: {  	_ =	swait.ge [sflag:s22], s20  }
0x9f: {  	s4 =	ssub.s32 $0x0, s20;
	[sflag:s22] =	ssyncset.done $0x0  }
0xa0: {  	[sflag:s22] =	ssyncadd.s32 s4;
	_ =	sdelay $0x1  }
0xa1: {  	s23 =	simm.s32 $0x1B8B  }
0xa2: {  	_ =	swait.ge [sflag:s23], $0x1  }
0xa3: {  	[sflag:s23] =	ssyncset.done $0x0  }
0xa4: {  	s25 =	simm.s32 $0x1B8E;
	s24 =	sld [smem:$0x3FFE];
	[sflag:s23] =	ssyncadd.s32 $0xFFFFFFFF  }
0xa5: {  	s26 =	simm.s32 $execute0_lowered;
	[smem:$0x3FD2] =	sst s25  }
0xa6: {  	s5 =	sshll.u32 s26, $0x1;
	_ =	strace $0x8000004F;
	[dreg:$0x1] =	wrdreg $0xFFFFFFFF  }
0xa7: {  	s28 =	simm.s32 $_size_execute0_lowered;
	s3 =	sadd.s32 s3, s5;
	[dreg:$0x0] =	wrdreg $0x0  }
0xa8: {  	s5 =	sshll.u32 s28, $0x1;
	[dreg:$0x2] =	wrdreg s3  }
0xa9: {  	[dreg:$0x3] =	wrdreg s5  }
0xaa: {  	[dreg:$0x4] =	wrdreg $0xC0  }
0xab: {  	_ =	task [dreg:s7], $0x5FFFF  }
0xac: {  	[dreg:$0x1] =	wrdreg $0xFFFFFFFF  }
0xad: {  	[dreg:$0x0] =	wrdreg $0x60  }
0xae: {  	[dreg:$0x2] =	wrdreg s24  }
0xaf: {  	[dreg:$0x3] =	wrdreg s2  }
0xb0: {  	[dreg:$0x4] =	wrdreg $0x94000  }
0xb1: {  	[dreg:$0x5] =	wrdreg $0x9  }
0xb2: {  	_ =	task.clear_ibuf [dreg:s7], $0x6FFFF;
	_ =	strace $0x9000004F  }
0xb3: {  	s29 =	simm.s32 $0x9;
	_ =	strace $0x80000051  }
0xb4: {  	_ =	swait.ge [sflag:s29], $0x1  }
0xb5: {  	[sflag:s29] =	ssyncadd.s32 $0xFFFFFFFF  }
0xb6: {  	_ =	strace $0x90000051  }
0xb7: {  	_ =	sfence  }
0xb8: {  	s30 =	sld [smem:$0x0];
	_ =	sdelay $0x2  }
0xb9: {  	s31 =	sshll.u32 s1, $0xD;
	s1 =	sshrl.u32 s1, $0x2  }
0xba: {  	s3 =	sand.u32 $0x4000, s31;
	s1 =	sadd.s32 s1, s30  }
0xbb: {  	s0 =	sor.u32 s3, s0;
	s1 =	sshll.u32 s1, $0x11  }
0xbc: {  	s0 =	sor.u32 s1, s0  }
0xbd: {  	s0 =	sadd.s32 $0x8F2B, s0  }
0xbe: {  	[sflag:s0] =	ssyncadd.remote.s32 $0x1  }
0xbf: {  	_ =	sfence.sel $0xFFFF  }
0xc0: {  	[dreg:$0x0] =	wrdreg $0xFFFFFFFF;
	(pc) =	sbr.abs _section_cstart, $3  }
0xc1: {  	[dreg:$0x1] =	wrdreg $0xFFFFFFFF  }
0xc2: {  	_ =	task.clear_ibuf [dreg:s7], $0x2FFFF;
	_ =	strace $0x9FFFFFFF  }
0xc3: {  	(tm) =	ssettm $0x7FFFFFFF  }
tec
execute0_lowered:
.L_overlay_start_1:
0x0: {  	(tag) =	ssettag $0x1  }
0x1: {  	s5 =	rddreg [dreg:$0x0]  }
0x2: {  	s0 =	srdreg.scid;
	s7 =	rddreg [dreg:$0x1]  }
0x3: {  	s2 =	rddreg [dreg:$0x2];
	s3 =	simm.s32 $0x0;
	s15 =	simm.s32 $0x5800  }
0x4: {  	s16 =	simm.s32 $0x1;
	s6 =	sand.u32 $0x1, s0;
	s0 =	stileid.u32  }
0x5: {  	s17 =	simm.s32 $0x0;
	[smem:$0x7FF] =	sst s3;
	s9 =	smul.u32 $0x13C00, s0  }
0x6: {  	s1 =	sshll.u32 s6, $0x4;
	s10 =	smul.u32 $0x13C000, s6;
	s6 =	ssub.s32 $0x2, s6  }
0x7: {  	s30 =	smul.u32 $0x4F000, s0;
	s31 =	sshll.u32 s0, $0x6;
	s4 =	sor.u32 s0, s1  }
0x8: {  	s1 =	rddreg [dreg:$0x3];
	_ =	strace $0x80000050;
	s13 =	sshrl.u32 s6, $0x1  }
0x9: {  	s8 =	smul.u32 $0x580, s4;
	s4 =	sadd.s32 $0x35C00, s5;
	s12 =	sshrl.u32 s9, $0x3  }
0xa: {  	s9 =	sadd.s32 s9, s10;
	s13 =	ssub.s32 s6, s13;
	s10 =	sshrl.u32 s30, $0x2  }
0xb: {  	s12 =	sadd.s32 s12, s5;
	s9 =	sshrl.u32 s9, $0x3;
	s14 =	sadd.s32 s10, s2  }
0xc: {  	s10 =	simm.s32 $0x2;
	s11 =	sadd.s32 s8, s5;
	s9 =	sadd.s32 s9, s5  }
0xd: {  	s5 =	sadd.s32 s7, s8;
	s7 =	sadd.s32 $0xE400, s12;
	s12 =	sor.u32 $0x1C02, s31  }
0xe: {  	s6 =	sadd.s32 $0x3400, s11;
	s8 =	sadd.s32 $0x5CE00, s9;
	s9 =	smax.u32 s13, $0x1  }
0xf: {  	s11 =	simm.s32 $0x2C00;
	s13 =	sshrl.u32 s14, $0x3;
	s14 =	simm.s32 $0x78  }
.LBB2_1:
0x10: {  	[tilespmem:s3], [sflag:$0x2] =	stream.linear.gather [hbm4b:s5+s3], $0x2A00, $0x38;
	[tilespmem:$0x1D000] =	vst v63  }
0x11: {  	_ =	swait.ge [sflag:s10], $0x2A00  }
0x12: {  	[sflag:s10] =	ssyncset.done $0x0  }
0x13: {  	[sflag:s10] =	ssyncadd.s32 $0xFFFFD600  }
0x14: {  	[tilespmem:s11], [sflag:$0x2] =	stream.linear.gather [hbm4b:s6+s3], $0x2A00, $0x38;
	[tilespmem:$0x1D000] =	vst v63  }
0x15: {  	_ =	swait.ge [sflag:s10], $0x2A00  }
0x16: {  	[sflag:s10] =	ssyncset.done $0x0  }
0x17: {  	[sflag:s10] =	ssyncadd.s32 $0xFFFFD600  }
0x18: {  	[spmem:s13], [sflag:s12] =	dma.local [hbm:s7], $0x2780  }
0x19: {  	_ =	swait.ge [sflag:s10], $0x2780  }
0x1a: {  	[sflag:s10] =	ssyncset.done $0x0  }
0x1b: {  	[sflag:s10] =	ssyncadd.s32 $0xFFFFD880  }
0x1c: {  	s18 =	simm.s32 $0x0;
	[bflag:$0x0] =	sbarrier.arrive $0xFFFF  }
0x1d: {  	[tilespmem:s15], [sflag:$0x1] =	stream.indirect.gather [hbm4b:s4+s14], $0x80, s18, s14, $0xb8;
	[tilespmem:$0x1D000] =	vst v63  }
0x1e: {  	_ =	swait.ge [sflag:s16], $0x3C00  }
0x1f: {  	[sflag:s16] =	ssyncset.done $0x0  }
0x20: {  	s31 =	simm.s32 $0x2C00;
	[sflag:s16] =	ssyncadd.s32 $0xFFFFC400  }
0x21: {  	[spmem:s2] =	stream.indirect.scatter.add.f32 [tilespmem:s15], [sflag:$0x2], $0x80, s31, s14, $0xb8;
	[tilespmem:$0x1D000] =	vst v63  }
0x22: {  	_ =	swait.ge [sflag:s10], $0x3C00  }
0x23: {  	s19 =	simm.s32 $0x400;
	s18 =	simm.s32 $0x200;
	[sflag:s10] =	ssyncset.done $0x0  }
.LBB2_2:
0x24: {  	s20 =	sshra.s32 s18, $0x2  }
0x25: {  	[sflag:s10] =	ssyncadd.s32 $0xFFFFC400;
	s18 =	smov.u32 s19;
	s21 =	sadd.s32 $0x200, s19  }
0x26: {  	[tilespmem:s15], [sflag:$0x1] =	stream.indirect.gather [hbm4b:s4+s14], $0x80, s20, s14, $0xb8;
	[tilespmem:$0x1D000] =	vst v63  }
0x27: {  	p0 =	sne.s32 s19, $0xA600;
	_ =	swait.ge [sflag:s16], $0x3C00  }
.Ltmp0:
0x28: {  	[sflag:s16] =	ssyncset.done $0x0;
	(pc) =	sbr.rel @p0 .LBB2_2-.Ltmp0, $4  }
0x29: {  	s19 =	sadd.s32 $0x2C00, s20;
	[sflag:s16] =	ssyncadd.s32 $0xFFFFC400  }
0x2a: {  	[spmem:s2] =	stream.indirect.scatter.add.f32 [tilespmem:s15], [sflag:$0x2], $0x80, s19, s14, $0xb8;
	[tilespmem:$0x1D000] =	vst v63  }
0x2b: {  	_ =	swait.ge [sflag:s10], $0x3C00  }
0x2c: {  	s19 =	smov.u32 s21;
	[sflag:s10] =	ssyncset.done $0x0  }
0x2d: {  	s18 =	sshra.s32 s18, $0x2;
	[sflag:s10] =	ssyncadd.s32 $0xFFFFC400  }
0x2e: {  	[tilespmem:s15], [sflag:$0x1] =	stream.indirect.gather [hbm4b:s4+s14], $0x80, s18, s14, $0xb8;
	[tilespmem:$0x1D000] =	vst v63  }
0x2f: {  	_ =	swait.ge [sflag:s16], $0x3C00  }
0x30: {  	[sflag:s16] =	ssyncset.done $0x0  }
0x31: {  	s18 =	sadd.s32 $0x2C00, s18;
	[sflag:s16] =	ssyncadd.s32 $0xFFFFC400  }
0x32: {  	[spmem:s2] =	stream.indirect.scatter.add.f32 [tilespmem:s15], [sflag:$0x2], $0x80, s18, s14, $0xb8;
	[tilespmem:$0x1D000] =	vst v63  }
0x33: {  	_ =	swait.ge [sflag:s10], $0x3C00  }
0x34: {  	s17 =	sadd.s32 $0x1, s17;
	[sflag:s10] =	ssyncset.done $0x0  }
0x35: {  	p0 =	sne.s32 s17, s9;
	[sflag:s10] =	ssyncadd.s32 $0xFFFFC400  }
.Ltmp1:
0x36: {  	[bflag:$0x0] =	sbarrier.arrive $0xFFFF;
	(pc) =	sbr.rel @p0 .LBB2_1-.Ltmp1, $4  }
0x37: {  	[hbm:s8], [sflag:s12] =	dma.local [spmem:s13], $0x2780  }
0x38: {  	_ =	swait.ge [sflag:s10], $0x2780  }
0x39: {  	[sflag:s10] =	ssyncset.done $0x0  }
0x3a: {  	[sflag:s10] =	ssyncadd.s32 $0xFFFFD880  }
0x3b: {  	_ =	sfence.sel $0x180000  }
0x3c: {  	[bflag:$0x0] =	sbarrier.arrive $0xFFFF  }
0x3d: {  	p0 =	sne.s32 s0, $0x0;
	_ =	strace $0x90000050  }
0x3e: {  	s0 =	sadd.s32 @!p0 $0x100000, s1;
	[bflag:$0x2] =	sbarrier.arrive $0xFFFF  }
0x3f: {  	[sflag:s0] =	ssyncadd.tile.s32 @!p0 $0x1;
	_ =	shalt  }
.Lfunc_end2:
_tile_overlayer_lowered:
.L_overlay_start_2:
0x40: {  	(tag) =	ssettag $0x2  }
0x41: {  	s0 =	rddreg [dreg:$0x0];
	s2 =	stileid.u32  }
0x42: {  	s1 =	rddreg [dreg:$0x1];
	p0 =	sne.s32 s2, $0x0  }
0x43: {  	s3 =	rddreg [dreg:$0x2];
	[bflag:$0x3] =	sbarrier.arrive $0xFFFF;
	s2 =	simm.s32 @!p0 $0x1C02  }
0x44: {  	[timem:s3], [sflag:s2] =	dma.local @!p0 [hbm:s0], s1  }
0x45: {  	s0 =	simm.s32 @!p0 $0x2  }
0x46: {  	_ =	swait.ge @!p0 [sflag:s0], s1  }
0x47: {  	s1 =	ssub.s32 @!p0 $0x0, s1;
	[sflag:s0] =	ssyncset.done @!p0 $0x0  }
0x48: {  	[sflag:s0] =	ssyncadd.s32 @!p0 s1  }
0x49: {  	[bflag:$0x3] =	sbarrier.arrive $0xFFFF  }
0x4a: {  	_ =	shalt  }

// kernel: sage_seg_sum.5.cloned.1.call-start
scs
__scs_entry_jumppad:
0x0: {  	(pc) =	sbr.rel $0x88, $3  }
0x1: {  	(tag) =	ssettag $0x0;
	lr =	simm.s32 $0x1  }
0x2: {  	[smem:$0x3F92] =	sst lr;
	_ =	strace $0xD0000000  }
0x3: {  	_ = 	snop  }
0x4: {  	_ = 	snop  }
0x5: {  	_ = 	snop  }
0x6: {  	_ = 	snop  }
0x7: {  	_ = 	snop  }
__scs_overlays_trampoline_lowered:
0x8: {  	[smem:$0x3FA1] =	sst s0  }
0x9: {  	[smem:$0x3FA2] =	sst s1  }
0xa: {  	[smem:$0x3FA3] =	sst s2  }
0xb: {  	[smem:$0x3FA4] =	sst s3  }
0xc: {  	[smem:$0x3FA5] =	sst s4  }
0xd: {  	[smem:$0x3FA6] =	sst s5  }
0xe: {  	[smem:$0x3FA7] =	sst s6  }
0xf: {  	[smem:$0x3FA8] =	sst s7  }
0x10: {  	[smem:$0x3FA9] =	sst s8  }
0x11: {  	[smem:$0x3FAA] =	sst s9;
	s0 =	simm.s32 @!p0 $0x0  }
0x12: {  	s1 =	sld [smem:$0x3F90];
	s0 =	simm.s32 @p0 $0x1  }
0x13: {  	[smem:$0x3FAB] =	sst s0;
	s0 =	simm.s32 @!p1 $0x0  }
0x14: {  	s2 =	sld [smem:$0x3F8F];
	s0 =	simm.s32 @p1 $0x1  }
0x15: {  	[smem:$0x3FAC] =	sst s0;
	s0 =	simm.s32 @!p2 $0x0  }
0x16: {  	s3 =	sld [smem:$0x3FDB];
	s0 =	simm.s32 @p2 $0x1  }
0x17: {  	s4 =	simm.s32 $0x1BF5;
	[smem:$0x3FAE] =	sst s0  }
0x18: {  	s0 =	sld [smem:$0x3F91];
	_ =	swait.ge [sflag:s4], $0x0  }
0x19: {  	s7 =	sld [smem:$0x3F92]  }
0x1a: {  	s8 =	sadd.s32 $0xFFFFE003, lr  }
0x1b: {  	s9 =	sadd.s32 $0xFFFFFEF7, lr;
	s5 =	simm.s32 $0xFFFFFFFF;
	p2 =	slt.u32 s8, $0xFFFFF086  }
0x1c: {  	p1 =	slt.u32 s9, $0xF7A;
	s5 =	simm.s32 @!p2 $0x0  }
0x1d: {  	s5 =	simm.s32 @p1 $0x1;
	p0 =	seq.s32 s7, s2  }
0x1e: {  	s7 =	smul.u32 @!p0 $0xF7A, s2;
	p2 =	seq.s32 @!p0 s5, $0x0  }
0x1f: {  	s9 =	smul.u32 $0xF7A, s1;
	s8 =	simm.s32 @!p0 $0x1BF5;
	p2 =	por !p2, p0  }
0x20: {  	[sflag:s8] =	ssyncset.s32 @!p0 $0xFFFFF086;
	s6 =	sadd.s32 @!p0 s3, s7;
	s7 =	simm.s32 @!p0 $0x108  }
0x21: {  	s3 =	sadd.s32 s3, s9;
	s6 =	sadd.s32 @!p0 $0x88, s6;
	s7 =	simm.s32 @p2 $0x1082  }
0x22: {  	[simem:s7], [sflag:s8] =	dma.local @!p0 [hbm:s6], $0xF7A  }
0x23: {  	s9 =	sor.u32 $0xD0000000, s2;
	s6 =	simm.s32 $0x108;
	_ =	swait.ge @!p0 [sflag:s8], $0x0  }
0x24: {  	s3 =	sadd.s32 $0x88, s3;
	s6 =	simm.s32 @!p1 $0x1082;
	[sflag:s4] =	ssyncset.s32 $0xFFFFF086  }
0x25: {  	[simem:s6], [sflag:s4] =	dma.local [hbm:s3], $0xF7A  }
0x26: {  	[smem:$0x3F92] =	sst s1;
	(tag) =	ssettag s2;
	_ =	strace s9  }
0x27: {  	s1 =	sld [smem:$0x3FA2]  }
0x28: {  	s2 =	sld [smem:$0x3FA3]  }
0x29: {  	s4 =	sld [smem:$0x3FA5]  }
0x2a: {  	p0 =	seq.s32 s5, $0x0;
	s5 =	sld [smem:$0x3FA6]  }
0x2b: {  	s6 =	sld [smem:$0x3FA7]  }
0x2c: {  	s7 =	sld [smem:$0x3FA8]  }
0x2d: {  	s3 =	simm.s32 $0x108;
	s8 =	sld [smem:$0x3FA9]  }
0x2e: {  	s3 =	simm.s32 @!p0 $0x1082;
	s9 =	sld [smem:$0x3FAA]  }
0x2f: {  	lr =	sadd.s32 s0, s3;
	s0 =	sld [smem:$0x3FA1]  }
0x30: {  	s3 =	sld [smem:$0x3FA4]  }
0x31: {  	[smem:$0x3FAD] =	sst s10  }
0x32: {  	s10 =	sld [smem:$0x3FAB];
	_ =	sdelay $0x3  }
0x33: {  	p0 =	seq.s32 s10, $0x1;
	s10 =	sld [smem:$0x3FAD];
	_ =	sdelay $0x3  }
0x34: {  	[smem:$0x3FAD] =	sst s10  }
0x35: {  	s10 =	sld [smem:$0x3FAC];
	_ =	sdelay $0x3  }
0x36: {  	p1 =	seq.s32 s10, $0x1;
	s10 =	sld [smem:$0x3FAD];
	_ =	sdelay $0x3  }
0x37: {  	[smem:$0x3FAD] =	sst s10  }
0x38: {  	s10 =	sld [smem:$0x3FAE]  }
0x39: {  	_ = 	snop;
	(pc) =	sbr.ind lr, $3  }
0x3a: {  	_ = 	snop  }
0x3b: {  	_ = 	snop  }
0x3c: {  	p2 =	seq.s32 s10, $0x1;
	s10 =	sld [smem:$0x3FAD]  }
0x3d: {  	_ =	shalt  }
0x3e: {  	_ =	shalt  }
0x3f: {  	_ =	shalt  }
0x40: {  	_ =	shalt  }
0x41: {  	_ =	shalt  }
0x42: {  	_ =	shalt  }
0x43: {  	_ =	shalt  }
0x44: {  	_ =	shalt  }
0x45: {  	_ =	shalt  }
0x46: {  	_ =	shalt  }
0x47: {  	_ =	shalt  }
0x48: {  	_ =	shalt  }
0x49: {  	_ =	shalt  }
0x4a: {  	_ =	shalt  }
0x4b: {  	_ =	shalt  }
0x4c: {  	_ =	shalt  }
0x4d: {  	_ =	shalt  }
0x4e: {  	_ =	shalt  }
0x4f: {  	_ =	shalt  }
0x50: {  	_ =	shalt  }
0x51: {  	_ =	shalt  }
0x52: {  	_ =	shalt  }
0x53: {  	_ =	shalt  }
0x54: {  	_ =	shalt  }
0x55: {  	_ =	shalt  }
0x56: {  	_ =	shalt  }
0x57: {  	_ =	shalt  }
0x58: {  	_ =	shalt  }
0x59: {  	_ =	shalt  }
0x5a: {  	_ =	shalt  }
0x5b: {  	_ =	shalt  }
0x5c: {  	_ =	shalt  }
0x5d: {  	_ =	shalt  }
0x5e: {  	_ =	shalt  }
0x5f: {  	_ =	shalt  }
0x60: {  	_ =	shalt  }
0x61: {  	_ =	shalt  }
0x62: {  	_ =	shalt  }
0x63: {  	_ =	shalt  }
0x64: {  	_ =	shalt  }
0x65: {  	_ =	shalt  }
0x66: {  	_ =	shalt  }
0x67: {  	_ =	shalt  }
0x68: {  	_ =	shalt  }
0x69: {  	_ =	shalt  }
0x6a: {  	_ =	shalt  }
0x6b: {  	_ =	shalt  }
0x6c: {  	_ =	shalt  }
0x6d: {  	_ =	shalt  }
0x6e: {  	_ =	shalt  }
0x6f: {  	_ =	shalt  }
0x70: {  	_ =	shalt  }
0x71: {  	_ =	shalt  }
0x72: {  	_ =	shalt  }
0x73: {  	_ =	shalt  }
0x74: {  	_ =	shalt  }
0x75: {  	_ =	shalt  }
0x76: {  	_ =	shalt  }
0x77: {  	_ =	shalt  }
0x78: {  	_ =	shalt  }
0x79: {  	_ =	shalt  }
0x7a: {  	_ =	shalt  }
0x7b: {  	_ =	shalt  }
0x7c: {  	_ =	shalt  }
0x7d: {  	_ =	shalt  }
0x7e: {  	_ =	shalt  }
0x7f: {  	_ =	shalt  }
0x80: {  	_ =	shalt  }
0x81: {  	_ =	shalt  }
0x82: {  	_ =	shalt  }
0x83: {  	_ =	shalt  }
0x84: {  	_ =	shalt  }
0x85: {  	_ =	shalt  }
0x86: {  	_ =	shalt  }
0x87: {  	_ =	shalt  }
.Lfunc_end0:
.L_simem_size_0:
called_computation.1_lowered:
.L_overlay_start_0:
0x88: {  	s2 =	sld [smem:$0x3FD9]  }
0x89: {  	s3 =	sld [smem:$0x3FFE];
	_ =	sdelay $0x1  }
0x8a: {  	s1 =	srdreg.scid  }
0x8b: {  	s0 =	sand.u32 $0x1, s1  }
0x8c: {  	s17 =	sshll.u32 s0, $0xA;
	s2 =	sadd.s32 s3, s2  }
0x8d: {  	s2 =	sadd.s32 s2, s17  }
0x8e: {  	[smem:$0x3FB9] =	sst s2  }
0x8f: {  	_ = 	snop  }
0x90: {  	s18 =	sld [smem:$0x3FC9]  }
0x91: {  	s4 =	sld [smem:$0x3FD0];
	(tm) =	ssettm $0x1  }
0x92: {  	s19 =	sld [smem:$0x3FFB];
	_ =	sdelay $0x3  }
0x93: {  	_ =	strace s19  }
0x94: {  	s2 =	sld [smem:$0x3FFC];
	_ =	sdelay $0x3  }
0x95: {  	_ =	strace s2  }
0x96: {  	s2 =	sld [smem:$0x3FFD];
	_ =	sdelay $0x3  }
0x97: {  	_ =	strace s2  }
0x98: {  	_ =	strace $0x8FFFFFFF  }
0x99: {  	s20 =	sld [smem:$0x3FDB];
	_ =	sdelay $0x1  }
0x9a: {  	s5 =	simm.s32 $_scs_section_size  }
0x9b: {  	s6 =	simm.s32 $_size__tile_overlayer_lowered;
	s7 =	simm.s32 $_tile_overlayer_lowered  }
0x9c: {  	s8 =	simm.s32 $0x1BFF;
	s21 =	sshll.u32 s7, $0x1;
	s5 =	sadd.s32 s5, s20  }
0x9d: {  	s22 =	simm.s32 $0x0;
	s6 =	sshll.u32 s6, $0x1;
	s7 =	sadd.s32 s21, s5  }
0x9e: {  	[timem:s22], [sflag:s8] =	dma.local [hbm:s7], s6  }
0x9f: {  	_ =	swait.ge [sflag:s8], s6  }
0xa0: {  	s6 =	ssub.s32 $0x0, s6;
	[sflag:s8] =	ssyncset.done $0x0  }
0xa1: {  	[sflag:s8] =	ssyncadd.s32 s6;
	_ =	sdelay $0x1  }
0xa2: {  	s23 =	simm.s32 $0x1B8B  }
0xa3: {  	_ =	swait.ge [sflag:s23], $0x1  }
0xa4: {  	[sflag:s23] =	ssyncset.done $0x0  }
0xa5: {  	[sflag:s23] =	ssyncadd.s32 $0xFFFFFFFF  }
0xa6: {  	s6 =	sld [smem:$0x0]  }
0xa7: {  	s7 =	sand.u32 $0xFFFFFFFE, s1  }
0xa8: {  	p0 =	sne.s32 s1, s7  }
0xa9: {  	s7 =	sshll.u32 @p0 s7, $0xE  }
0xaa: {  	s7 =	sadd.s32 @p0 $0x11B8D, s7;
	s8 =	sshll.u32 @p0 s6, $0x11  }
0xab: {  	s7 =	sor.u32 @p0 s8, s7  }
0xac: {  	[sflag:s7] =	ssyncadd.remote.s32 @p0 $0x1;
	_ =	sdelay $0x1  }
0xad: {  	s7 =	simm.s32 @p0 $0x1B8D  }
0xae: {  	_ =	swait.eq @p0 [sflag:s7], $0x1  }
0xaf: {  	[sflag:s7] =	ssyncadd.s32 @p0 $0xFFFFFFFF  }
0xb0: {  	s8 =	sshll.u32 @!p0 s1, $0xE  }
0xb1: {  	s8 =	sor.u32 @!p0 $0x4000, s8;
	s7 =	simm.s32 @!p0 $0x1B8D  }
0xb2: {  	s6 =	sshll.u32 @!p0 s6, $0x11;
	s8 =	sadd.s32 @!p0 $0x11B8D, s8;
	_ =	swait.eq @!p0 [sflag:s7], $0x1  }
0xb3: {  	s6 =	sor.u32 @!p0 s6, s8;
	[sflag:s7] =	ssyncadd.s32 @!p0 $0xFFFFFFFF  }
0xb4: {  	s25 =	simm.s32 $0x1B8E;
	s24 =	sld [smem:$0x3FFE];
	[sflag:s6] =	ssyncadd.remote.s32 @!p0 $0x1  }
0xb5: {  	s26 =	simm.s32 $execute0_lowered;
	[smem:$0x3FD2] =	sst s25  }
0xb6: {  	s7 =	sshll.u32 s26, $0x1;
	_ =	strace $0x80000049;
	[dreg:$0x1] =	wrdreg $0xFFFFFFFF  }
0xb7: {  	s28 =	simm.s32 $_size_execute0_lowered;
	s5 =	sadd.s32 s5, s7;
	[dreg:$0x0] =	wrdreg $0x0  }
0xb8: {  	s7 =	sshll.u32 s28, $0x1;
	[dreg:$0x2] =	wrdreg s5  }
0xb9: {  	[dreg:$0x3] =	wrdreg s7  }
0xba: {  	[dreg:$0x4] =	wrdreg $0xC0  }
0xbb: {  	_ =	task [dreg:s22], $0x5FFFF  }
0xbc: {  	[dreg:$0x1] =	wrdreg $0xFFFFFFFF  }
0xbd: {  	[dreg:$0x0] =	wrdreg $0x60  }
0xbe: {  	[dreg:$0x2] =	wrdreg s18  }
0xbf: {  	[dreg:$0x3] =	wrdreg s4  }
0xc0: {  	[dreg:$0x4] =	wrdreg s24  }
0xc1: {  	[dreg:$0x5] =	wrdreg $0x94000  }
0xc2: {  	[dreg:$0x6] =	wrdreg $0xA  }
0xc3: {  	_ =	task.clear_ibuf [dreg:s22], $0x7FFFF;
	_ =	strace $0x90000049  }
0xc4: {  	s29 =	simm.s32 $0xA;
	_ =	strace $0x8000004B  }
0xc5: {  	_ =	swait.ge [sflag:s29], $0x1  }
0xc6: {  	[sflag:s29] =	ssyncadd.s32 $0xFFFFFFFF  }
0xc7: {  	_ =	strace $0x9000004B  }
0xc8: {  	_ =	sfence  }
0xc9: {  	s30 =	sld [smem:$0x0];
	_ =	sdelay $0x2  }
0xca: {  	s31 =	sshll.u32 s1, $0xD;
	s1 =	sshrl.u32 s1, $0x2  }
0xcb: {  	s4 =	sand.u32 $0x4000, s31;
	s1 =	sadd.s32 s1, s30  }
0xcc: {  	s0 =	sor.u32 s4, s0;
	s1 =	sshll.u32 s1, $0x11  }
0xcd: {  	s0 =	sor.u32 s1, s0  }
0xce: {  	s0 =	sadd.s32 $0x8F2B, s0  }
0xcf: {  	[sflag:s0] =	ssyncadd.remote.s32 $0x1  }
0xd0: {  	_ =	sfence.sel $0xFFFF  }
0xd1: {  	[dreg:$0x0] =	wrdreg $0xFFFFFFFF;
	(pc) =	sbr.abs _section_cstart, $3  }
0xd2: {  	[dreg:$0x1] =	wrdreg $0xFFFFFFFF  }
0xd3: {  	_ =	task.clear_ibuf [dreg:s22], $0x2FFFF;
	_ =	strace $0x9FFFFFFF  }
0xd4: {  	(tm) =	ssettm $0x7FFFFFFF  }
0xd5: {  	_ =	shalt  }
tec
execute0_lowered:
.L_overlay_start_1:
0x0: {  	(tag) =	ssettag $0x1  }
0x1: {  	s1 =	rddreg [dreg:$0x0]  }
0x2: {  	s6 =	rddreg [dreg:$0x1]  }
0x3: {  	s7 =	rddreg [dreg:$0x2]  }
0x4: {  	s0 =	srdreg.scid;
	s3 =	rddreg [dreg:$0x3];
	s4 =	simm.s32 $0x0  }
0x5: {  	s15 =	simm.s32 $0x5800;
	s5 =	sand.u32 $0x1, s0;
	s0 =	stileid.u32  }
0x6: {  	s16 =	simm.s32 $0x1;
	s17 =	simm.s32 $0x0;
	s9 =	smul.u32 $0x13C00, s0  }
0x7: {  	[smem:$0x7FF] =	sst s4;
	s2 =	sshll.u32 s5, $0x4;
	s10 =	smul.u32 $0x13C000, s5  }
0x8: {  	s5 =	ssub.s32 $0x2, s5;
	s29 =	smul.u32 $0x4F000, s0;
	s2 =	sor.u32 s0, s2  }
0x9: {  	s31 =	sshll.u32 s0, $0x6;
	s13 =	sshrl.u32 s5, $0x1;
	s8 =	smul.u32 $0x580, s2  }
0xa: {  	s2 =	rddreg [dreg:$0x4];
	_ =	strace $0x8000004A;
	s12 =	sshrl.u32 s9, $0x3  }
0xb: {  	s9 =	sadd.s32 s9, s10;
	s13 =	ssub.s32 s5, s13;
	s30 =	sshrl.u32 s29, $0x2  }
0xc: {  	s10 =	simm.s32 $0x2;
	s12 =	sadd.s32 s12, s7;
	s9 =	sshrl.u32 s9, $0x3  }
0xd: {  	s14 =	sadd.s32 s30, s3;
	s11 =	sadd.s32 s8, s7;
	s9 =	sadd.s32 s9, s7  }
0xe: {  	s5 =	sadd.s32 s6, s8;
	s7 =	sadd.s32 $0xE400, s12;
	s12 =	sor.u32 $0x1C02, s31  }
0xf: {  	s6 =	sadd.s32 $0x3400, s11;
	s8 =	sadd.s32 $0x85400, s9;
	s9 =	smax.u32 s13, $0x1  }
0x10: {  	s11 =	simm.s32 $0x2C00;
	s13 =	sshrl.u32 s14, $0x3;
	s14 =	simm.s32 $0x78  }
.LBB2_1:
0x11: {  	[tilespmem:s4], [sflag:$0x2] =	stream.linear.gather [hbm4b:s5+s4], $0x2A00, $0x38;
	[tilespmem:$0x1D000] =	vst v63  }
0x12: {  	_ =	swait.ge [sflag:s10], $0x2A00  }
0x13: {  	[sflag:s10] =	ssyncset.done $0x0  }
0x14: {  	[sflag:s10] =	ssyncadd.s32 $0xFFFFD600  }
0x15: {  	[tilespmem:s11], [sflag:$0x2] =	stream.linear.gather [hbm4b:s6+s4], $0x2A00, $0x38;
	[tilespmem:$0x1D000] =	vst v63  }
0x16: {  	_ =	swait.ge [sflag:s10], $0x2A00  }
0x17: {  	[sflag:s10] =	ssyncset.done $0x0  }
0x18: {  	[sflag:s10] =	ssyncadd.s32 $0xFFFFD600  }
0x19: {  	[spmem:s13], [sflag:s12] =	dma.local [hbm:s7], $0x2780  }
0x1a: {  	_ =	swait.ge [sflag:s10], $0x2780  }
0x1b: {  	[sflag:s10] =	ssyncset.done $0x0  }
0x1c: {  	[sflag:s10] =	ssyncadd.s32 $0xFFFFD880  }
0x1d: {  	s18 =	simm.s32 $0x0;
	[bflag:$0x0] =	sbarrier.arrive $0xFFFF  }
0x1e: {  	[tilespmem:s15], [sflag:$0x1] =	stream.indirect.gather [hbm4b:s1+s14], $0x80, s18, s14, $0xb8;
	[tilespmem:$0x1D000] =	vst v63  }
0x1f: {  	_ =	swait.ge [sflag:s16], $0x3C00  }
0x20: {  	[sflag:s16] =	ssyncset.done $0x0  }
0x21: {  	s31 =	simm.s32 $0x2C00;
	[sflag:s16] =	ssyncadd.s32 $0xFFFFC400  }
0x22: {  	[spmem:s3] =	stream.indirect.scatter.add.f32 [tilespmem:s15], [sflag:$0x2], $0x80, s31, s14, $0xb8;
	[tilespmem:$0x1D000] =	vst v63  }
0x23: {  	_ =	swait.ge [sflag:s10], $0x3C00  }
0x24: {  	s19 =	simm.s32 $0x400;
	s18 =	simm.s32 $0x200;
	[sflag:s10] =	ssyncset.done $0x0  }
.LBB2_2:
0x25: {  	s20 =	sshra.s32 s18, $0x2  }
0x26: {  	[sflag:s10] =	ssyncadd.s32 $0xFFFFC400;
	s18 =	smov.u32 s19;
	s21 =	sadd.s32 $0x200, s19  }
0x27: {  	[tilespmem:s15], [sflag:$0x1] =	stream.indirect.gather [hbm4b:s1+s14], $0x80, s20, s14, $0xb8;
	[tilespmem:$0x1D000] =	vst v63  }
0x28: {  	p0 =	sne.s32 s19, $0xA600;
	_ =	swait.ge [sflag:s16], $0x3C00  }
.Ltmp0:
0x29: {  	[sflag:s16] =	ssyncset.done $0x0;
	(pc) =	sbr.rel @p0 .LBB2_2-.Ltmp0, $4  }
0x2a: {  	s19 =	sadd.s32 $0x2C00, s20;
	[sflag:s16] =	ssyncadd.s32 $0xFFFFC400  }
0x2b: {  	[spmem:s3] =	stream.indirect.scatter.add.f32 [tilespmem:s15], [sflag:$0x2], $0x80, s19, s14, $0xb8;
	[tilespmem:$0x1D000] =	vst v63  }
0x2c: {  	_ =	swait.ge [sflag:s10], $0x3C00  }
0x2d: {  	s19 =	smov.u32 s21;
	[sflag:s10] =	ssyncset.done $0x0  }
0x2e: {  	s18 =	sshra.s32 s18, $0x2;
	[sflag:s10] =	ssyncadd.s32 $0xFFFFC400  }
0x2f: {  	[tilespmem:s15], [sflag:$0x1] =	stream.indirect.gather [hbm4b:s1+s14], $0x80, s18, s14, $0xb8;
	[tilespmem:$0x1D000] =	vst v63  }
0x30: {  	_ =	swait.ge [sflag:s16], $0x3C00  }
0x31: {  	[sflag:s16] =	ssyncset.done $0x0  }
0x32: {  	s18 =	sadd.s32 $0x2C00, s18;
	[sflag:s16] =	ssyncadd.s32 $0xFFFFC400  }
0x33: {  	[spmem:s3] =	stream.indirect.scatter.add.f32 [tilespmem:s15], [sflag:$0x2], $0x80, s18, s14, $0xb8;
	[tilespmem:$0x1D000] =	vst v63  }
0x34: {  	_ =	swait.ge [sflag:s10], $0x3C00  }
0x35: {  	s17 =	sadd.s32 $0x1, s17;
	[sflag:s10] =	ssyncset.done $0x0  }
0x36: {  	p0 =	sne.s32 s17, s9;
	[sflag:s10] =	ssyncadd.s32 $0xFFFFC400  }
.Ltmp1:
0x37: {  	[bflag:$0x0] =	sbarrier.arrive $0xFFFF;
	(pc) =	sbr.rel @p0 .LBB2_1-.Ltmp1, $4  }
0x38: {  	[hbm:s8], [sflag:s12] =	dma.local [spmem:s13], $0x2780  }
0x39: {  	_ =	swait.ge [sflag:s10], $0x2780  }
0x3a: {  	[sflag:s10] =	ssyncset.done $0x0  }
0x3b: {  	[sflag:s10] =	ssyncadd.s32 $0xFFFFD880  }
0x3c: {  	_ =	sfence.sel $0x180000  }
0x3d: {  	[bflag:$0x0] =	sbarrier.arrive $0xFFFF  }
0x3e: {  	p0 =	sne.s32 s0, $0x0;
	_ =	strace $0x9000004A  }
0x3f: {  	s0 =	sadd.s32 @!p0 $0x100000, s2;
	[bflag:$0x2] =	sbarrier.arrive $0xFFFF  }
0x40: {  	[sflag:s0] =	ssyncadd.tile.s32 @!p0 $0x1;
	_ =	shalt  }
.Lfunc_end2:
_tile_overlayer_lowered:
.L_overlay_start_2:
0x41: {  	(tag) =	ssettag $0x2  }
0x42: {  	s0 =	rddreg [dreg:$0x0];
	s2 =	stileid.u32  }
0x43: {  	s1 =	rddreg [dreg:$0x1];
	p0 =	sne.s32 s2, $0x0  }
0x44: {  	s3 =	rddreg [dreg:$0x2];
	[bflag:$0x3] =	sbarrier.arrive $0xFFFF;
	s2 =	simm.s32 @!p0 $0x1C02  }
0x45: {  	[timem:s3], [sflag:s2] =	dma.local @!p0 [hbm:s0], s1  }
0x46: {  	s0 =	simm.s32 @!p0 $0x2  }
0x47: {  	_ =	swait.ge @!p0 [sflag:s0], s1  }
0x48: {  	s1 =	ssub.s32 @!p0 $0x0, s1;
	[sflag:s0] =	ssyncset.done @!p0 $0x0  }
0x49: {  	[sflag:s0] =	ssyncadd.s32 @!p0 s1  }
0x4a: {  	[bflag:$0x3] =	sbarrier.arrive $0xFFFF  }
0x4b: {  	_ =	shalt  }

// kernel: sage_seg_sum.8.cloned.1.call-start
scs
__scs_entry_jumppad:
0x0: {  	(pc) =	sbr.rel $0x88, $3  }
0x1: {  	(tag) =	ssettag $0x0;
	lr =	simm.s32 $0x1  }
0x2: {  	[smem:$0x3F92] =	sst lr;
	_ =	strace $0xD0000000  }
0x3: {  	_ = 	snop  }
0x4: {  	_ = 	snop  }
0x5: {  	_ = 	snop  }
0x6: {  	_ = 	snop  }
0x7: {  	_ = 	snop  }
__scs_overlays_trampoline_lowered:
0x8: {  	[smem:$0x3FA1] =	sst s0  }
0x9: {  	[smem:$0x3FA2] =	sst s1  }
0xa: {  	[smem:$0x3FA3] =	sst s2  }
0xb: {  	[smem:$0x3FA4] =	sst s3  }
0xc: {  	[smem:$0x3FA5] =	sst s4  }
0xd: {  	[smem:$0x3FA6] =	sst s5  }
0xe: {  	[smem:$0x3FA7] =	sst s6  }
0xf: {  	[smem:$0x3FA8] =	sst s7  }
0x10: {  	[smem:$0x3FA9] =	sst s8  }
0x11: {  	[smem:$0x3FAA] =	sst s9;
	s0 =	simm.s32 @!p0 $0x0  }
0x12: {  	s1 =	sld [smem:$0x3F90];
	s0 =	simm.s32 @p0 $0x1  }
0x13: {  	[smem:$0x3FAB] =	sst s0;
	s0 =	simm.s32 @!p1 $0x0  }
0x14: {  	s2 =	sld [smem:$0x3F8F];
	s0 =	simm.s32 @p1 $0x1  }
0x15: {  	[smem:$0x3FAC] =	sst s0;
	s0 =	simm.s32 @!p2 $0x0  }
0x16: {  	s3 =	sld [smem:$0x3FDB];
	s0 =	simm.s32 @p2 $0x1  }
0x17: {  	s4 =	simm.s32 $0x1BF5;
	[smem:$0x3FAE] =	sst s0  }
0x18: {  	s0 =	sld [smem:$0x3F91];
	_ =	swait.ge [sflag:s4], $0x0  }
0x19: {  	s7 =	sld [smem:$0x3F92]  }
0x1a: {  	s8 =	sadd.s32 $0xFFFFE003, lr  }
0x1b: {  	s9 =	sadd.s32 $0xFFFFFEF7, lr;
	s5 =	simm.s32 $0xFFFFFFFF;
	p2 =	slt.u32 s8, $0xFFFFF086  }
0x1c: {  	p1 =	slt.u32 s9, $0xF7A;
	s5 =	simm.s32 @!p2 $0x0  }
0x1d: {  	s5 =	simm.s32 @p1 $0x1;
	p0 =	seq.s32 s7, s2  }
0x1e: {  	s7 =	smul.u32 @!p0 $0xF7A, s2;
	p2 =	seq.s32 @!p0 s5, $0x0  }
0x1f: {  	s9 =	smul.u32 $0xF7A, s1;
	s8 =	simm.s32 @!p0 $0x1BF5;
	p2 =	por !p2, p0  }
0x20: {  	[sflag:s8] =	ssyncset.s32 @!p0 $0xFFFFF086;
	s6 =	sadd.s32 @!p0 s3, s7;
	s7 =	simm.s32 @!p0 $0x108  }
0x21: {  	s3 =	sadd.s32 s3, s9;
	s6 =	sadd.s32 @!p0 $0x88, s6;
	s7 =	simm.s32 @p2 $0x1082  }
0x22: {  	[simem:s7], [sflag:s8] =	dma.local @!p0 [hbm:s6], $0xF7A  }
0x23: {  	s9 =	sor.u32 $0xD0000000, s2;
	s6 =	simm.s32 $0x108;
	_ =	swait.ge @!p0 [sflag:s8], $0x0  }
0x24: {  	s3 =	sadd.s32 $0x88, s3;
	s6 =	simm.s32 @!p1 $0x1082;
	[sflag:s4] =	ssyncset.s32 $0xFFFFF086  }
0x25: {  	[simem:s6], [sflag:s4] =	dma.local [hbm:s3], $0xF7A  }
0x26: {  	[smem:$0x3F92] =	sst s1;
	(tag) =	ssettag s2;
	_ =	strace s9  }
0x27: {  	s1 =	sld [smem:$0x3FA2]  }
0x28: {  	s2 =	sld [smem:$0x3FA3]  }
0x29: {  	s4 =	sld [smem:$0x3FA5]  }
0x2a: {  	p0 =	seq.s32 s5, $0x0;
	s5 =	sld [smem:$0x3FA6]  }
0x2b: {  	s6 =	sld [smem:$0x3FA7]  }
0x2c: {  	s7 =	sld [smem:$0x3FA8]  }
0x2d: {  	s3 =	simm.s32 $0x108;
	s8 =	sld [smem:$0x3FA9]  }
0x2e: {  	s3 =	simm.s32 @!p0 $0x1082;
	s9 =	sld [smem:$0x3FAA]  }
0x2f: {  	lr =	sadd.s32 s0, s3;
	s0 =	sld [smem:$0x3FA1]  }
0x30: {  	s3 =	sld [smem:$0x3FA4]  }
0x31: {  	[smem:$0x3FAD] =	sst s10  }
0x32: {  	s10 =	sld [smem:$0x3FAB];
	_ =	sdelay $0x3  }
0x33: {  	p0 =	seq.s32 s10, $0x1;
	s10 =	sld [smem:$0x3FAD];
	_ =	sdelay $0x3  }
0x34: {  	[smem:$0x3FAD] =	sst s10  }
0x35: {  	s10 =	sld [smem:$0x3FAC];
	_ =	sdelay $0x3  }
0x36: {  	p1 =	seq.s32 s10, $0x1;
	s10 =	sld [smem:$0x3FAD];
	_ =	sdelay $0x3  }
0x37: {  	[smem:$0x3FAD] =	sst s10  }
0x38: {  	s10 =	sld [smem:$0x3FAE]  }
0x39: {  	_ = 	snop;
	(pc) =	sbr.ind lr, $3  }
0x3a: {  	_ = 	snop  }
0x3b: {  	_ = 	snop  }
0x3c: {  	p2 =	seq.s32 s10, $0x1;
	s10 =	sld [smem:$0x3FAD]  }
0x3d: {  	_ =	shalt  }
0x3e: {  	_ =	shalt  }
0x3f: {  	_ =	shalt  }
0x40: {  	_ =	shalt  }
0x41: {  	_ =	shalt  }
0x42: {  	_ =	shalt  }
0x43: {  	_ =	shalt  }
0x44: {  	_ =	shalt  }
0x45: {  	_ =	shalt  }
0x46: {  	_ =	shalt  }
0x47: {  	_ =	shalt  }
0x48: {  	_ =	shalt  }
0x49: {  	_ =	shalt  }
0x4a: {  	_ =	shalt  }
0x4b: {  	_ =	shalt  }
0x4c: {  	_ =	shalt  }
0x4d: {  	_ =	shalt  }
0x4e: {  	_ =	shalt  }
0x4f: {  	_ =	shalt  }
0x50: {  	_ =	shalt  }
0x51: {  	_ =	shalt  }
0x52: {  	_ =	shalt  }
0x53: {  	_ =	shalt  }
0x54: {  	_ =	shalt  }
0x55: {  	_ =	shalt  }
0x56: {  	_ =	shalt  }
0x57: {  	_ =	shalt  }
0x58: {  	_ =	shalt  }
0x59: {  	_ =	shalt  }
0x5a: {  	_ =	shalt  }
0x5b: {  	_ =	shalt  }
0x5c: {  	_ =	shalt  }
0x5d: {  	_ =	shalt  }
0x5e: {  	_ =	shalt  }
0x5f: {  	_ =	shalt  }
0x60: {  	_ =	shalt  }
0x61: {  	_ =	shalt  }
0x62: {  	_ =	shalt  }
0x63: {  	_ =	shalt  }
0x64: {  	_ =	shalt  }
0x65: {  	_ =	shalt  }
0x66: {  	_ =	shalt  }
0x67: {  	_ =	shalt  }
0x68: {  	_ =	shalt  }
0x69: {  	_ =	shalt  }
0x6a: {  	_ =	shalt  }
0x6b: {  	_ =	shalt  }
0x6c: {  	_ =	shalt  }
0x6d: {  	_ =	shalt  }
0x6e: {  	_ =	shalt  }
0x6f: {  	_ =	shalt  }
0x70: {  	_ =	shalt  }
0x71: {  	_ =	shalt  }
0x72: {  	_ =	shalt  }
0x73: {  	_ =	shalt  }
0x74: {  	_ =	shalt  }
0x75: {  	_ =	shalt  }
0x76: {  	_ =	shalt  }
0x77: {  	_ =	shalt  }
0x78: {  	_ =	shalt  }
0x79: {  	_ =	shalt  }
0x7a: {  	_ =	shalt  }
0x7b: {  	_ =	shalt  }
0x7c: {  	_ =	shalt  }
0x7d: {  	_ =	shalt  }
0x7e: {  	_ =	shalt  }
0x7f: {  	_ =	shalt  }
0x80: {  	_ =	shalt  }
0x81: {  	_ =	shalt  }
0x82: {  	_ =	shalt  }
0x83: {  	_ =	shalt  }
0x84: {  	_ =	shalt  }
0x85: {  	_ =	shalt  }
0x86: {  	_ =	shalt  }
0x87: {  	_ =	shalt  }
.Lfunc_end0:
.L_simem_size_0:
called_computation.2_lowered:
.L_overlay_start_0:
0x88: {  	s2 =	sld [smem:$0x3FD9]  }
0x89: {  	s3 =	sld [smem:$0x3FFE];
	_ =	sdelay $0x1  }
0x8a: {  	s1 =	srdreg.scid  }
0x8b: {  	s0 =	sand.u32 $0x1, s1  }
0x8c: {  	s17 =	sshll.u32 s0, $0xA;
	s2 =	sadd.s32 s3, s2  }
0x8d: {  	s2 =	sadd.s32 s2, s17  }
0x8e: {  	[smem:$0x3FB9] =	sst s2  }
0x8f: {  	_ = 	snop  }
0x90: {  	s2 =	sld [smem:$0x3FD0];
	(tm) =	ssettm $0x1  }
0x91: {  	s18 =	sld [smem:$0x3FFB];
	_ =	sdelay $0x3  }
0x92: {  	_ =	strace s18  }
0x93: {  	s3 =	sld [smem:$0x3FFC];
	_ =	sdelay $0x3  }
0x94: {  	_ =	strace s3  }
0x95: {  	s3 =	sld [smem:$0x3FFD];
	_ =	sdelay $0x3  }
0x96: {  	_ =	strace s3  }
0x97: {  	_ =	strace $0x8FFFFFFF  }
0x98: {  	s19 =	sld [smem:$0x3FDB];
	_ =	sdelay $0x1  }
0x99: {  	s4 =	simm.s32 $_scs_section_size  }
0x9a: {  	s5 =	simm.s32 $_size__tile_overlayer_lowered;
	s6 =	simm.s32 $_tile_overlayer_lowered  }
0x9b: {  	s22 =	simm.s32 $0x1BFF;
	s21 =	sshll.u32 s6, $0x1;
	s3 =	sadd.s32 s4, s19  }
0x9c: {  	s7 =	simm.s32 $0x0;
	s20 =	sshll.u32 s5, $0x1;
	s5 =	sadd.s32 s21, s3  }
0x9d: {  	[timem:s7], [sflag:s22] =	dma.local [hbm:s5], s20  }
0x9e: {  	_ =	swait.ge [sflag:s22], s20  }
0x9f: {  	s4 =	ssub.s32 $0x0, s20;
	[sflag:s22] =	ssyncset.done $0x0  }
0xa0: {  	[sflag:s22] =	ssyncadd.s32 s4;
	_ =	sdelay $0x1  }
0xa1: {  	s23 =	simm.s32 $0x1B8B  }
0xa2: {  	_ =	swait.ge [sflag:s23], $0x1  }
0xa3: {  	[sflag:s23] =	ssyncset.done $0x0  }
0xa4: {  	s25 =	simm.s32 $0x1B8E;
	s24 =	sld [smem:$0x3FFE];
	[sflag:s23] =	ssyncadd.s32 $0xFFFFFFFF  }
0xa5: {  	s26 =	simm.s32 $execute0_lowered;
	[smem:$0x3FD2] =	sst s25  }
0xa6: {  	s5 =	sshll.u32 s26, $0x1;
	_ =	strace $0x8000004C;
	[dreg:$0x1] =	wrdreg $0xFFFFFFFF  }
0xa7: {  	s28 =	simm.s32 $_size_execute0_lowered;
	s3 =	sadd.s32 s3, s5;
	[dreg:$0x0] =	wrdreg $0x0  }
0xa8: {  	s5 =	sshll.u32 s28, $0x1;
	[dreg:$0x2] =	wrdreg s3  }
0xa9: {  	[dreg:$0x3] =	wrdreg s5  }
0xaa: {  	[dreg:$0x4] =	wrdreg $0xC0  }
0xab: {  	_ =	task [dreg:s7], $0x5FFFF  }
0xac: {  	[dreg:$0x1] =	wrdreg $0xFFFFFFFF  }
0xad: {  	[dreg:$0x0] =	wrdreg $0x60  }
0xae: {  	[dreg:$0x2] =	wrdreg s24  }
0xaf: {  	[dreg:$0x3] =	wrdreg s2  }
0xb0: {  	[dreg:$0x4] =	wrdreg $0x94000  }
0xb1: {  	[dreg:$0x5] =	wrdreg $0x9  }
0xb2: {  	_ =	task.clear_ibuf [dreg:s7], $0x6FFFF;
	_ =	strace $0x9000004C  }
0xb3: {  	s29 =	simm.s32 $0x9;
	_ =	strace $0x8000004E  }
0xb4: {  	_ =	swait.ge [sflag:s29], $0x1  }
0xb5: {  	[sflag:s29] =	ssyncadd.s32 $0xFFFFFFFF  }
0xb6: {  	_ =	strace $0x9000004E  }
0xb7: {  	_ =	sfence  }
0xb8: {  	s30 =	sld [smem:$0x0];
	_ =	sdelay $0x2  }
0xb9: {  	s31 =	sshll.u32 s1, $0xD;
	s1 =	sshrl.u32 s1, $0x2  }
0xba: {  	s3 =	sand.u32 $0x4000, s31;
	s1 =	sadd.s32 s1, s30  }
0xbb: {  	s0 =	sor.u32 s3, s0;
	s1 =	sshll.u32 s1, $0x11  }
0xbc: {  	s0 =	sor.u32 s1, s0  }
0xbd: {  	s0 =	sadd.s32 $0x8F2B, s0  }
0xbe: {  	[sflag:s0] =	ssyncadd.remote.s32 $0x1  }
0xbf: {  	_ =	sfence.sel $0xFFFF  }
0xc0: {  	[dreg:$0x0] =	wrdreg $0xFFFFFFFF;
	(pc) =	sbr.abs _section_cstart, $3  }
0xc1: {  	[dreg:$0x1] =	wrdreg $0xFFFFFFFF  }
0xc2: {  	_ =	task.clear_ibuf [dreg:s7], $0x2FFFF;
	_ =	strace $0x9FFFFFFF  }
0xc3: {  	(tm) =	ssettm $0x7FFFFFFF  }
tec
execute0_lowered:
.L_overlay_start_1:
0x0: {  	(tag) =	ssettag $0x1  }
0x1: {  	s5 =	rddreg [dreg:$0x0]  }
0x2: {  	s0 =	srdreg.scid;
	s7 =	rddreg [dreg:$0x1]  }
0x3: {  	s2 =	rddreg [dreg:$0x2];
	s3 =	simm.s32 $0x0;
	s15 =	simm.s32 $0x5800  }
0x4: {  	s16 =	simm.s32 $0x1;
	s6 =	sand.u32 $0x1, s0;
	s0 =	stileid.u32  }
0x5: {  	s17 =	simm.s32 $0x0;
	[smem:$0x7FF] =	sst s3;
	s9 =	smul.u32 $0x13C00, s0  }
0x6: {  	s1 =	sshll.u32 s6, $0x4;
	s10 =	smul.u32 $0x13C000, s6;
	s6 =	ssub.s32 $0x2, s6  }
0x7: {  	s30 =	smul.u32 $0x4F000, s0;
	s31 =	sshll.u32 s0, $0x6;
	s4 =	sor.u32 s0, s1  }
0x8: {  	s1 =	rddreg [dreg:$0x3];
	_ =	strace $0x8000004D;
	s13 =	sshrl.u32 s6, $0x1  }
0x9: {  	s8 =	smul.u32 $0x580, s4;
	s4 =	sadd.s32 $0x35C00, s5;
	s12 =	sshrl.u32 s9, $0x3  }
0xa: {  	s9 =	sadd.s32 s9, s10;
	s13 =	ssub.s32 s6, s13;
	s10 =	sshrl.u32 s30, $0x2  }
0xb: {  	s12 =	sadd.s32 s12, s5;
	s9 =	sshrl.u32 s9, $0x3;
	s14 =	sadd.s32 s10, s2  }
0xc: {  	s10 =	simm.s32 $0x2;
	s11 =	sadd.s32 s8, s5;
	s9 =	sadd.s32 s9, s5  }
0xd: {  	s5 =	sadd.s32 s7, s8;
	s7 =	sadd.s32 $0xE400, s12;
	s12 =	sor.u32 $0x1C02, s31  }
0xe: {  	s6 =	sadd.s32 $0x3400, s11;
	s8 =	sadd.s32 $0x5CE00, s9;
	s9 =	smax.u32 s13, $0x1  }
0xf: {  	s11 =	simm.s32 $0x2C00;
	s13 =	sshrl.u32 s14, $0x3;
	s14 =	simm.s32 $0x78  }
.LBB2_1:
0x10: {  	[tilespmem:s3], [sflag:$0x2] =	stream.linear.gather [hbm4b:s5+s3], $0x2A00, $0x38;
	[tilespmem:$0x1D000] =	vst v63  }
0x11: {  	_ =	swait.ge [sflag:s10], $0x2A00  }
0x12: {  	[sflag:s10] =	ssyncset.done $0x0  }
0x13: {  	[sflag:s10] =	ssyncadd.s32 $0xFFFFD600  }
0x14: {  	[tilespmem:s11], [sflag:$0x2] =	stream.linear.gather [hbm4b:s6+s3], $0x2A00, $0x38;
	[tilespmem:$0x1D000] =	vst v63  }
0x15: {  	_ =	swait.ge [sflag:s10], $0x2A00  }
0x16: {  	[sflag:s10] =	ssyncset.done $0x0  }
0x17: {  	[sflag:s10] =	ssyncadd.s32 $0xFFFFD600  }
0x18: {  	[spmem:s13], [sflag:s12] =	dma.local [hbm:s7], $0x2780  }
0x19: {  	_ =	swait.ge [sflag:s10], $0x2780  }
0x1a: {  	[sflag:s10] =	ssyncset.done $0x0  }
0x1b: {  	[sflag:s10] =	ssyncadd.s32 $0xFFFFD880  }
0x1c: {  	s18 =	simm.s32 $0x0;
	[bflag:$0x0] =	sbarrier.arrive $0xFFFF  }
0x1d: {  	[tilespmem:s15], [sflag:$0x1] =	stream.indirect.gather [hbm4b:s4+s14], $0x80, s18, s14, $0xb8;
	[tilespmem:$0x1D000] =	vst v63  }
0x1e: {  	_ =	swait.ge [sflag:s16], $0x3C00  }
0x1f: {  	[sflag:s16] =	ssyncset.done $0x0  }
0x20: {  	s31 =	simm.s32 $0x2C00;
	[sflag:s16] =	ssyncadd.s32 $0xFFFFC400  }
0x21: {  	[spmem:s2] =	stream.indirect.scatter.add.f32 [tilespmem:s15], [sflag:$0x2], $0x80, s31, s14, $0xb8;
	[tilespmem:$0x1D000] =	vst v63  }
0x22: {  	_ =	swait.ge [sflag:s10], $0x3C00  }
0x23: {  	s19 =	simm.s32 $0x400;
	s18 =	simm.s32 $0x200;
	[sflag:s10] =	ssyncset.done $0x0  }
.LBB2_2:
0x24: {  	s20 =	sshra.s32 s18, $0x2  }
0x25: {  	[sflag:s10] =	ssyncadd.s32 $0xFFFFC400;
	s18 =	smov.u32 s19;
	s21 =	sadd.s32 $0x200, s19  }
0x26: {  	[tilespmem:s15], [sflag:$0x1] =	stream.indirect.gather [hbm4b:s4+s14], $0x80, s20, s14, $0xb8;
	[tilespmem:$0x1D000] =	vst v63  }
0x27: {  	p0 =	sne.s32 s19, $0xA600;
	_ =	swait.ge [sflag:s16], $0x3C00  }
.Ltmp0:
0x28: {  	[sflag:s16] =	ssyncset.done $0x0;
	(pc) =	sbr.rel @p0 .LBB2_2-.Ltmp0, $4  }
0x29: {  	s19 =	sadd.s32 $0x2C00, s20;
	[sflag:s16] =	ssyncadd.s32 $0xFFFFC400  }
0x2a: {  	[spmem:s2] =	stream.indirect.scatter.add.f32 [tilespmem:s15], [sflag:$0x2], $0x80, s19, s14, $0xb8;
	[tilespmem:$0x1D000] =	vst v63  }
0x2b: {  	_ =	swait.ge [sflag:s10], $0x3C00  }
0x2c: {  	s19 =	smov.u32 s21;
	[sflag:s10] =	ssyncset.done $0x0  }
0x2d: {  	s18 =	sshra.s32 s18, $0x2;
	[sflag:s10] =	ssyncadd.s32 $0xFFFFC400  }
0x2e: {  	[tilespmem:s15], [sflag:$0x1] =	stream.indirect.gather [hbm4b:s4+s14], $0x80, s18, s14, $0xb8;
	[tilespmem:$0x1D000] =	vst v63  }
0x2f: {  	_ =	swait.ge [sflag:s16], $0x3C00  }
0x30: {  	[sflag:s16] =	ssyncset.done $0x0  }
0x31: {  	s18 =	sadd.s32 $0x2C00, s18;
	[sflag:s16] =	ssyncadd.s32 $0xFFFFC400  }
0x32: {  	[spmem:s2] =	stream.indirect.scatter.add.f32 [tilespmem:s15], [sflag:$0x2], $0x80, s18, s14, $0xb8;
	[tilespmem:$0x1D000] =	vst v63  }
0x33: {  	_ =	swait.ge [sflag:s10], $0x3C00  }
0x34: {  	s17 =	sadd.s32 $0x1, s17;
	[sflag:s10] =	ssyncset.done $0x0  }
0x35: {  	p0 =	sne.s32 s17, s9;
	[sflag:s10] =	ssyncadd.s32 $0xFFFFC400  }
.Ltmp1:
0x36: {  	[bflag:$0x0] =	sbarrier.arrive $0xFFFF;
	(pc) =	sbr.rel @p0 .LBB2_1-.Ltmp1, $4  }
0x37: {  	[hbm:s8], [sflag:s12] =	dma.local [spmem:s13], $0x2780  }
0x38: {  	_ =	swait.ge [sflag:s10], $0x2780  }
0x39: {  	[sflag:s10] =	ssyncset.done $0x0  }
0x3a: {  	[sflag:s10] =	ssyncadd.s32 $0xFFFFD880  }
0x3b: {  	_ =	sfence.sel $0x180000  }
0x3c: {  	[bflag:$0x0] =	sbarrier.arrive $0xFFFF  }
0x3d: {  	p0 =	sne.s32 s0, $0x0;
	_ =	strace $0x9000004D  }
0x3e: {  	s0 =	sadd.s32 @!p0 $0x100000, s1;
	[bflag:$0x2] =	sbarrier.arrive $0xFFFF  }
0x3f: {  	[sflag:s0] =	ssyncadd.tile.s32 @!p0 $0x1;
	_ =	shalt  }
.Lfunc_end2:
_tile_overlayer_lowered:
.L_overlay_start_2:
0x40: {  	(tag) =	ssettag $0x2  }
0x41: {  	s0 =	rddreg [dreg:$0x0];
	s2 =	stileid.u32  }
0x42: {  	s1 =	rddreg [dreg:$0x1];
	p0 =	sne.s32 s2, $0x0  }
0x43: {  	s3 =	rddreg [dreg:$0x2];
	[bflag:$0x3] =	sbarrier.arrive $0xFFFF;
	s2 =	simm.s32 @!p0 $0x1C02  }
0x44: {  	[timem:s3], [sflag:s2] =	dma.local @!p0 [hbm:s0], s1  }
0x45: {  	s0 =	simm.s32 @!p0 $0x2  }
0x46: {  	_ =	swait.ge @!p0 [sflag:s0], s1  }
0x47: {  	s1 =	ssub.s32 @!p0 $0x0, s1;
	[sflag:s0] =	ssyncset.done @!p0 $0x0  }
0x48: {  	[sflag:s0] =	ssyncadd.s32 @!p0 s1  }
0x49: {  	[bflag:$0x3] =	sbarrier.arrive $0xFFFF  }
0x4a: {  	_ =	shalt  }

</sc_bundles>
